<compile_context>
chip_gen: v7x
topology: tpu7x:2x2x1
jax: 0.10.2.dev20260603
libtpu: 0.0.44.dev20260713+nightly
codegen_flags: <defaults>
</compile_context>

<pallas_src>
import functools

import jax
import jax.numpy as jnp
from jax import lax
from jax.experimental import pallas as pl
from jax.experimental.pallas import tpu as pltpu
from jax.experimental.pallas import tpu_sc as plsc

E = 64
K = 2
D = 1024
F = 512
FS = 1024
T = 2048
M = 64
NT = (T * K + E * M) // M
P_PAD = NT * M


def _router_body(h_ref, gw_ref, rw_ref, sel_ref):
    h = h_ref[...]
    gw = gw_ref[...]
    logits = lax.dot_general(h, gw, (((1,), (1,)), ((), ())),
                             preferred_element_type=jnp.float32)
    m = jnp.max(logits, axis=1, keepdims=True)
    p = jnp.exp(logits - m)
    iota = lax.broadcasted_iota(jnp.int32, p.shape, 1)
    p1 = jnp.max(p, axis=1, keepdims=True)
    i1 = jnp.min(jnp.where(p >= p1, iota, E), axis=1, keepdims=True)
    pm = jnp.where(iota == i1, -jnp.inf, p)
    p2 = jnp.max(pm, axis=1, keepdims=True)
    i2 = jnp.min(jnp.where(pm >= p2, iota, E), axis=1, keepdims=True)
    denom = p1 + p2
    rw_ref[...] = jnp.concatenate([p1 / denom, p2 / denom], axis=1)
    sel_ref[...] = jnp.concatenate([i1, i2], axis=1)


def _router(h, gate_w):
    return pl.pallas_call(
        _router_body,
        out_shape=(jax.ShapeDtypeStruct((T, K), jnp.float32),
                   jax.ShapeDtypeStruct((T, K), jnp.int32)),
    )(h, gate_w)


def _grouped_body(te_ref, tv_ref, h_ref, gup_ref, dn_ref, rw_ref, o_ref):
    i = pl.program_id(0)

    @pl.when(tv_ref[i] != 0)
    def _():
        x = h_ref[...].astype(jnp.bfloat16)
        gup = gup_ref[0].astype(jnp.bfloat16)
        gu = lax.dot_general(x, gup, (((1,), (1,)), ((), ())),
                             preferred_element_type=jnp.float32)
        g = gu[:, :F]
        u = gu[:, F:]
        act = (g * jax.nn.sigmoid(g)) * u
        dn = dn_ref[0].astype(jnp.bfloat16)
        out = lax.dot_general(act.astype(jnp.bfloat16), dn,
                              (((1,), (1,)), ((), ())),
                              preferred_element_type=jnp.float32)
        o_ref[...] = out * rw_ref[0]



def _grouped(h_sorted, gup, dn, rw_slot3, tile_expert, tile_valid):
    grid_spec = pltpu.PrefetchScalarGridSpec(
        num_scalar_prefetch=2,
        grid=(NT,),
        in_specs=[
            pl.BlockSpec((M, D),
                         lambda i, te, tv: (jnp.where(tv[i] != 0, i, 0), 0)),
            pl.BlockSpec((1, 2 * F, D), lambda i, te, tv: (te[i], 0, 0)),
            pl.BlockSpec((1, D, F), lambda i, te, tv: (te[i], 0, 0)),
            pl.BlockSpec((1, M, 1),
                         lambda i, te, tv: (jnp.where(tv[i] != 0, i, 0), 0, 0)),
        ],
        out_specs=pl.BlockSpec(
            (M, D), lambda i, te, tv: (jnp.where(tv[i] != 0, i, NT - 1), 0)),
    )
    return pl.pallas_call(
        _grouped_body,
        grid_spec=grid_spec,
        out_shape=jax.ShapeDtypeStruct((P_PAD, D), jnp.float32),
    )(tile_expert, tile_valid, h_sorted, gup, dn, rw_slot3)


def _shared_body(h_ref, g_ref, u_ref, d_ref, s_ref, a_ref, b_ref, o_ref):
    x = h_ref[...].astype(jnp.bfloat16)
    gw = g_ref[...].astype(jnp.bfloat16)
    uw = u_ref[...].astype(jnp.bfloat16)
    g = lax.dot_general(x, gw, (((1,), (1,)), ((), ())),
                        preferred_element_type=jnp.float32)
    u = lax.dot_general(x, uw, (((1,), (1,)), ((), ())),
                        preferred_element_type=jnp.float32)
    act = (g * jax.nn.sigmoid(g)) * u
    dw = d_ref[...].astype(jnp.bfloat16)
    out = lax.dot_general(act.astype(jnp.bfloat16), dw,
                          (((1,), (1,)), ((), ())),
                          preferred_element_type=jnp.float32)
    sw = s_ref[...]
    gate = jax.nn.sigmoid(lax.dot_general(
        h_ref[...], sw, (((1,), (1,)), ((), ())),
        preferred_element_type=jnp.float32))
    o_ref[...] = out * gate + a_ref[...] + b_ref[...]


def _shared(h, sh_gate_w, sh_up_w, sh_down_w, seg_w, ab):
    TS = 256
    return pl.pallas_call(
        _shared_body,
        grid=(T // TS,),
        in_specs=[
            pl.BlockSpec((TS, D), lambda i: (i, 0)),
            pl.BlockSpec((FS, D), lambda i: (0, 0)),
            pl.BlockSpec((FS, D), lambda i: (0, 0)),
            pl.BlockSpec((D, FS), lambda i: (0, 0)),
            pl.BlockSpec((1, D), lambda i: (0, 0)),
            pl.BlockSpec((TS, D), lambda i: (i, 0)),
            pl.BlockSpec((TS, D), lambda i: (i + T // TS, 0)),
        ],
        out_specs=pl.BlockSpec((TS, D), lambda i: (i, 0)),
        out_shape=jax.ShapeDtypeStruct((T, D), jnp.float32),
    )(h, sh_gate_w, sh_up_w, sh_down_w, seg_w, ab, ab)


_NW = 32
_SC_MESH = dict(core_axis_name="c", subcore_axis_name="s")


def _sc_gather_rows(table, idx, B):
    rows_per_w = B // _NW
    CH = 32
    nch = rows_per_w // CH

    @functools.partial(
        pl.kernel,
        mesh=plsc.VectorSubcoreMesh(**_SC_MESH),
        out_type=jax.ShapeDtypeStruct((B, D), jnp.float32),
        scratch_types=[
            pltpu.VMEM((rows_per_w,), jnp.int32),
            pltpu.VMEM((CH, D), jnp.float32),
            pltpu.VMEM((CH, D), jnp.float32),
            pltpu.SemaphoreType.DMA,
            pltpu.SemaphoreType.DMA,
        ],
    )
    def k(tab_hbm, idx_hbm, out_hbm, idx_v, rows_a, rows_b, sem_g, sem_w):
        wid = lax.axis_index("s") * 2 + lax.axis_index("c")
        base = wid * rows_per_w
        pltpu.sync_copy(idx_hbm.at[pl.ds(base, rows_per_w)], idx_v)
        bufs = (rows_a, rows_b)
        writes = []
        for c in range(nch):
            buf = bufs[c % 2]
            if c >= 2:
                writes[c - 2].wait()
            pltpu.async_copy(
                tab_hbm.at[idx_v.at[pl.ds(c * CH, CH)]], buf, sem_g).wait()
            writes.append(pltpu.async_copy(
                buf, out_hbm.at[pl.ds(base + c * CH, CH)], sem_w))
        writes[-2].wait()
        writes[-1].wait()

    return k(table, idx)


def _metadata(rw, sel):
    ef = sel.reshape(-1)
    onehot = (ef[:, None] == jnp.arange(E, dtype=jnp.int32)[None, :]
              ).astype(jnp.bfloat16)
    BLK = 128
    NB = T * K // BLK
    ohb = onehot.reshape(NB, BLK, E)
    tril = jnp.tril(jnp.ones((BLK, BLK), jnp.bfloat16))
    blockcum = jax.lax.dot_general(
        tril, ohb, (((1,), (1,)), ((), ())),
        preferred_element_type=jnp.float32)
    blockcum = jnp.swapaxes(blockcum, 0, 1)
    blocksums = jnp.sum(ohb, axis=1, dtype=jnp.float32)
    carry = jnp.cumsum(blocksums, axis=0) - blocksums
    csum = (blockcum + carry[:, None, :]).reshape(T * K, E)
    rank = jnp.sum(csum * onehot.astype(jnp.float32),
                   axis=1).astype(jnp.int32) - 1
    counts = jnp.sum(blocksums, axis=0).astype(jnp.int32)
    cnt_pad = ((counts + M - 1) // M) * M
    off = jnp.concatenate([jnp.zeros((1,), jnp.int32),
                           jnp.cumsum(cnt_pad)[:-1].astype(jnp.int32)])
    slot = off[ef] + rank
    pos = slot.reshape(T, K)
    tok = jnp.arange(T * K, dtype=jnp.int32) // K
    tos = (jnp.arange(P_PAD, dtype=jnp.int32) % T).at[slot].set(tok)
    rws = jnp.zeros((P_PAD,), jnp.float32).at[slot].set(rw.reshape(-1))
    total_pad = jnp.sum(cnt_pad)
    tile_start = jnp.arange(NT, dtype=jnp.int32) * M
    tile_valid = (tile_start < total_pad).astype(jnp.int32)
    tile_expert = jnp.sum(
        (tile_start[:, None] >= off[None, :]).astype(jnp.int32),
        axis=1) - 1
    return tos, rws, pos, tile_expert, tile_valid


def kernel(hidden_states, gate_w, gate_up_proj, down_proj,
           sh_gate_w, sh_up_w, sh_down_w, seg_w):
    B, L, Dm = hidden_states.shape
    h = hidden_states.reshape(T, D)

    rw, sel = _router(h, gate_w)
    tos, rws, pos, tile_expert, tile_valid = _metadata(rw, sel)

    h_sorted = _sc_gather_rows(h, tos, P_PAD)
    rw_slot3 = rws.reshape(NT, M, 1)
    slot_out = _grouped(h_sorted, gate_up_proj, down_proj, rw_slot3,
                        tile_expert, tile_valid)
    poscat = jnp.concatenate([pos[:, 0], pos[:, 1]])
    ab = _sc_gather_rows(slot_out, poscat, 2 * T)
    final = _shared(h, sh_gate_w, sh_up_w, sh_down_w, seg_w, ab)
    return final.reshape(B, L, Dm)

# --- scband reference (transcript-rebuilt; emitter-appended) ---
"""Pipeline reference for scband-epsparse-moe-block-12300786335900 (READ-ONLY COPY).

The authoritative reference and input builder live on the scoring server;
editing this copy changes nothing except your own understanding.
"""

import jax, jax.numpy as jnp
import numpy as np

E = 64
K = 2
D = 1024
F = 512
FS = 1024


def setup_inputs(seed: int = 0) -> dict:
    key = jax.random.key(seed)
    ks = jax.random.split(key, 9)
    s = 0.02
    return {
        "hidden_states": jax.random.normal(ks[0], (1, 2048, D), dtype=jnp.float32),
        "gate_w": jax.random.normal(ks[1], (E, D), dtype=jnp.float32) * s,
        "gate_up_proj": jax.random.normal(ks[2], (E, 2 * F, D), dtype=jnp.float32) * s,
        "down_proj": jax.random.normal(ks[3], (E, D, F), dtype=jnp.float32) * s,
        "sh_gate_w": jax.random.normal(ks[4], (FS, D), dtype=jnp.float32) * s,
        "sh_up_w": jax.random.normal(ks[5], (FS, D), dtype=jnp.float32) * s,
        "sh_down_w": jax.random.normal(ks[6], (D, FS), dtype=jnp.float32) * s,
        "seg_w": jax.random.normal(ks[7], (1, D), dtype=jnp.float32) * s,
    }


def reference(hidden_states, gate_w, gate_up_proj, down_proj, sh_gate_w, sh_up_w, sh_down_w, seg_w):
    B, L, Dm = hidden_states.shape
    h = hidden_states.reshape(-1, Dm)
    # shared expert (SwiGLU MLP) gated by sigmoid of shared_expert_gate
    shared = jax.nn.silu(h @ sh_gate_w.T) * (h @ sh_up_w.T)
    shared = shared @ sh_down_w.T
    shared = jax.nn.sigmoid(h @ seg_w.T) * shared
    # router: softmax over all experts, take top-k, renormalize
    logits = h @ gate_w.T
    probs = jax.nn.softmax(logits, axis=-1)
    rw, sel = jax.lax.top_k(probs, K)  # [T, K]
    rw = rw / jnp.sum(rw, axis=-1, keepdims=True)
    final = jnp.zeros_like(h)
    # expert shard compute: world_size=1 so local experts == all experts
    num_experts = gate_up_proj.shape[0]
    for e in range(num_experts):
        w = jnp.sum(rw * (sel == e).astype(rw.dtype), axis=-1)  # [T]
        gu = h @ gate_up_proj[e].T  # [T, 2F]
        g, u = jnp.split(gu, 2, axis=-1)
        out = jax.nn.silu(g) * u
        out = out @ down_proj[e].T  # [T, D]
        out = out * w[:, None]
        final = final + out
    return (final + shared).reshape(B, L, Dm)

if __name__ == "__main__":
    import jax
    _d = setup_inputs()
    print(jax.jit(kernel)(*tuple(_d.values())))

</pallas_src>

<mosaic_0001>
#map = affine_map<(d0, d1) -> (0, 0)>
#map1 = affine_map<(d0, d1) -> (0)>
module attributes {stable_mosaic.version = 14 : i64} {
  func.func @k(%arg0: i32, %arg1: i32, %arg2: memref<8192x1024xf32, #tpu.memory_space<hbm>>, %arg3: memref<4096xi32, #tpu.memory_space<hbm>>, %arg4: memref<4096x1024xf32, #tpu.memory_space<hbm>>, %arg5: memref<128xi32, #tpu.memory_space<vmem>>, %arg6: memref<32x1024xf32, #tpu.memory_space<vmem>>, %arg7: memref<32x1024xf32, #tpu.memory_space<vmem>>, %arg8: memref<!tpu.dma_semaphore, #tpu.memory_space<semaphore_mem>>, %arg9: memref<!tpu.dma_semaphore, #tpu.memory_space<semaphore_mem>>) attributes {dimension_semantics = [#tpu.dimension_semantics<core_parallel>, #tpu.dimension_semantics<subcore_parallel>], iteration_bounds = array<i64: 2, 16>, scalar_prefetch = 0 : i64, scratch_operands = 5 : i64, tpu.core_type = #tpu.core_type<sc_vector_subcore>, window_params = [{transform_indices = #map}, {transform_indices = #map1}, {transform_indices = #map}]} {
    %mul3A = arith.constant 2 : i32
    %mul3A_0 = arith.muli %arg1, %mul3A : i32
    %add3A = arith.addi %mul3A_0, %arg0 : i32
    %mul3A_1 = arith.constant 128 : i32
    %mul3A_2 = arith.muli %add3A, %mul3A_1 : i32
    "tpu.region"() ({
      %run_scoped3A = tpu.sem_alloc : memref<!tpu.dma_semaphore, #tpu.memory_space<semaphore_mem>>
      %dma_start3A_81 = tpu.memref_slice %arg3[%mul3A_2] : memref<4096xi32, #tpu.memory_space<hbm>> -> memref<128xi32, #tpu.memory_space<hbm>>
      %dma_start3A_82 = tpu.memref_slice %arg3[%mul3A_2] : memref<4096xi32, #tpu.memory_space<hbm>> -> memref<128xi32, #tpu.memory_space<hbm>>
      tpu.enqueue_dma source(%dma_start3A_82 : memref<128xi32, #tpu.memory_space<hbm>>) target(%arg5 : memref<128xi32, #tpu.memory_space<vmem>>) target_semaphore(%run_scoped3A : memref<!tpu.dma_semaphore, #tpu.memory_space<semaphore_mem>>)
      %dma_wait3A_83 = tpu.memref_slice %arg3[%mul3A_2] : memref<4096xi32, #tpu.memory_space<hbm>> -> memref<128xi32, #tpu.memory_space<hbm>>
      %dma_wait3A_84 = tpu.memref_slice %arg3[%mul3A_2] : memref<4096xi32, #tpu.memory_space<hbm>> -> memref<128xi32, #tpu.memory_space<hbm>>
      tpu.wait_dma2 semaphore(%run_scoped3A : memref<!tpu.dma_semaphore, #tpu.memory_space<semaphore_mem>>) src(%dma_wait3A_84 : memref<128xi32, #tpu.memory_space<hbm>>) dst(%arg5 : memref<128xi32, #tpu.memory_space<vmem>>)
      tpu.yield
    }) : () -> ()
    %dma_start3A = arith.constant 0 : i32
    %dma_start3A_3 = tpu.memref_slice %arg5[%dma_start3A] : memref<128xi32, #tpu.memory_space<vmem>> -> memref<32xi32, #tpu.memory_space<vmem>>
    %dma_start3A_4 = arith.constant 0 : i32
    %dma_start3A_5 = arith.constant 0 : i32
    %dma_start3A_6 = tpu.memref_slice %arg2[%dma_start3A_4, %dma_start3A_5] : memref<8192x1024xf32, #tpu.memory_space<hbm>> -> memref<8192x1024xf32, #tpu.memory_space<hbm>>
    tpu.enqueue_indirect_dma source(%dma_start3A_6 : memref<8192x1024xf32, #tpu.memory_space<hbm>>) target(%arg6 : memref<32x1024xf32, #tpu.memory_space<vmem>>) offsets(%dma_start3A_3 : memref<32xi32, #tpu.memory_space<vmem>>) semaphore(%arg8 : memref<!tpu.dma_semaphore, #tpu.memory_space<semaphore_mem>>)
    %dma_wait3A = arith.constant 0 : i32
    %dma_wait3A_7 = tpu.memref_slice %arg5[%dma_wait3A] : memref<128xi32, #tpu.memory_space<vmem>> -> memref<32xi32, #tpu.memory_space<vmem>>
    %dma_wait3A_8 = arith.constant 0 : i32
    %dma_wait3A_9 = arith.constant 0 : i32
    %dma_wait3A_10 = tpu.memref_slice %arg2[%dma_wait3A_8, %dma_wait3A_9] : memref<8192x1024xf32, #tpu.memory_space<hbm>> -> memref<8192x1024xf32, #tpu.memory_space<hbm>>
    tpu.wait_indirect_dma semaphore(%arg8 : memref<!tpu.dma_semaphore, #tpu.memory_space<semaphore_mem>>) src(%dma_wait3A_10 : memref<8192x1024xf32, #tpu.memory_space<hbm>>) dst(%arg6 : memref<32x1024xf32, #tpu.memory_space<vmem>>)
    %add3A_11 = arith.constant 0 : i32
    %add3A_12 = arith.addi %mul3A_2, %add3A_11 : i32
    %dma_start3A_13 = arith.constant 0 : i32
    %dma_start3A_14 = tpu.memref_slice %arg4[%add3A_12, %dma_start3A_13] : memref<4096x1024xf32, #tpu.memory_space<hbm>> -> memref<32x1024xf32, #tpu.memory_space<hbm>>
    %dma_start3A_15 = arith.constant 0 : i32
    %dma_start3A_16 = tpu.memref_slice %arg4[%add3A_12, %dma_start3A_15] : memref<4096x1024xf32, #tpu.memory_space<hbm>> -> memref<32x1024xf32, #tpu.memory_space<hbm>>
    tpu.enqueue_dma source(%arg6 : memref<32x1024xf32, #tpu.memory_space<vmem>>) target(%dma_start3A_16 : memref<32x1024xf32, #tpu.memory_space<hbm>>) target_semaphore(%arg9 : memref<!tpu.dma_semaphore, #tpu.memory_space<semaphore_mem>>)
    %dma_start3A_17 = arith.constant 32 : i32
    %dma_start3A_18 = tpu.memref_slice %arg5[%dma_start3A_17] : memref<128xi32, #tpu.memory_space<vmem>> -> memref<32xi32, #tpu.memory_space<vmem>>
    %dma_start3A_19 = arith.constant 0 : i32
    %dma_start3A_20 = arith.constant 0 : i32
    %dma_start3A_21 = tpu.memref_slice %arg2[%dma_start3A_19, %dma_start3A_20] : memref<8192x1024xf32, #tpu.memory_space<hbm>> -> memref<8192x1024xf32, #tpu.memory_space<hbm>>
    tpu.enqueue_indirect_dma source(%dma_start3A_21 : memref<8192x1024xf32, #tpu.memory_space<hbm>>) target(%arg7 : memref<32x1024xf32, #tpu.memory_space<vmem>>) offsets(%dma_start3A_18 : memref<32xi32, #tpu.memory_space<vmem>>) semaphore(%arg8 : memref<!tpu.dma_semaphore, #tpu.memory_space<semaphore_mem>>)
    %dma_wait3A_22 = arith.constant 32 : i32
    %dma_wait3A_23 = tpu.memref_slice %arg5[%dma_wait3A_22] : memref<128xi32, #tpu.memory_space<vmem>> -> memref<32xi32, #tpu.memory_space<vmem>>
    %dma_wait3A_24 = arith.constant 0 : i32
    %dma_wait3A_25 = arith.constant 0 : i32
    %dma_wait3A_26 = tpu.memref_slice %arg2[%dma_wait3A_24, %dma_wait3A_25] : memref<8192x1024xf32, #tpu.memory_space<hbm>> -> memref<8192x1024xf32, #tpu.memory_space<hbm>>
    tpu.wait_indirect_dma semaphore(%arg8 : memref<!tpu.dma_semaphore, #tpu.memory_space<semaphore_mem>>) src(%dma_wait3A_26 : memref<8192x1024xf32, #tpu.memory_space<hbm>>) dst(%arg7 : memref<32x1024xf32, #tpu.memory_space<vmem>>)
    %add3A_27 = arith.constant 32 : i32
    %add3A_28 = arith.addi %mul3A_2, %add3A_27 : i32
    %dma_start3A_29 = arith.constant 0 : i32
    %dma_start3A_30 = tpu.memref_slice %arg4[%add3A_28, %dma_start3A_29] : memref<4096x1024xf32, #tpu.memory_space<hbm>> -> memref<32x1024xf32, #tpu.memory_space<hbm>>
    %dma_start3A_31 = arith.constant 0 : i32
    %dma_start3A_32 = tpu.memref_slice %arg4[%add3A_28, %dma_start3A_31] : memref<4096x1024xf32, #tpu.memory_space<hbm>> -> memref<32x1024xf32, #tpu.memory_space<hbm>>
    tpu.enqueue_dma source(%arg7 : memref<32x1024xf32, #tpu.memory_space<vmem>>) target(%dma_start3A_32 : memref<32x1024xf32, #tpu.memory_space<hbm>>) target_semaphore(%arg9 : memref<!tpu.dma_semaphore, #tpu.memory_space<semaphore_mem>>)
    %dma_wait3A_33 = arith.constant 0 : i32
    %dma_wait3A_34 = tpu.memref_slice %arg4[%add3A_12, %dma_wait3A_33] : memref<4096x1024xf32, #tpu.memory_space<hbm>> -> memref<32x1024xf32, #tpu.memory_space<hbm>>
    %dma_wait3A_35 = arith.constant 0 : i32
    %dma_wait3A_36 = tpu.memref_slice %arg4[%add3A_12, %dma_wait3A_35] : memref<4096x1024xf32, #tpu.memory_space<hbm>> -> memref<32x1024xf32, #tpu.memory_space<hbm>>
    tpu.wait_dma2 semaphore(%arg9 : memref<!tpu.dma_semaphore, #tpu.memory_space<semaphore_mem>>) src(%arg6 : memref<32x1024xf32, #tpu.memory_space<vmem>>) dst(%dma_wait3A_36 : memref<32x1024xf32, #tpu.memory_space<hbm>>)
    %dma_start3A_37 = arith.constant 64 : i32
    %dma_start3A_38 = tpu.memref_slice %arg5[%dma_start3A_37] : memref<128xi32, #tpu.memory_space<vmem>> -> memref<32xi32, #tpu.memory_space<vmem>>
    %dma_start3A_39 = arith.constant 0 : i32
    %dma_start3A_40 = arith.constant 0 : i32
    %dma_start3A_41 = tpu.memref_slice %arg2[%dma_start3A_39, %dma_start3A_40] : memref<8192x1024xf32, #tpu.memory_space<hbm>> -> memref<8192x1024xf32, #tpu.memory_space<hbm>>
    tpu.enqueue_indirect_dma source(%dma_start3A_41 : memref<8192x1024xf32, #tpu.memory_space<hbm>>) target(%arg6 : memref<32x1024xf32, #tpu.memory_space<vmem>>) offsets(%dma_start3A_38 : memref<32xi32, #tpu.memory_space<vmem>>) semaphore(%arg8 : memref<!tpu.dma_semaphore, #tpu.memory_space<semaphore_mem>>)
    %dma_wait3A_42 = arith.constant 64 : i32
    %dma_wait3A_43 = tpu.memref_slice %arg5[%dma_wait3A_42] : memref<128xi32, #tpu.memory_space<vmem>> -> memref<32xi32, #tpu.memory_space<vmem>>
    %dma_wait3A_44 = arith.constant 0 : i32
    %dma_wait3A_45 = arith.constant 0 : i32
    %dma_wait3A_46 = tpu.memref_slice %arg2[%dma_wait3A_44, %dma_wait3A_45] : memref<8192x1024xf32, #tpu.memory_space<hbm>> -> memref<8192x1024xf32, #tpu.memory_space<hbm>>
    tpu.wait_indirect_dma semaphore(%arg8 : memref<!tpu.dma_semaphore, #tpu.memory_space<semaphore_mem>>) src(%dma_wait3A_46 : memref<8192x1024xf32, #tpu.memory_space<hbm>>) dst(%arg6 : memref<32x1024xf32, #tpu.memory_space<vmem>>)
    %add3A_47 = arith.constant 64 : i32
    %add3A_48 = arith.addi %mul3A_2, %add3A_47 : i32
    %dma_start3A_49 = arith.constant 0 : i32
    %dma_start3A_50 = tpu.memref_slice %arg4[%add3A_48, %dma_start3A_49] : memref<4096x1024xf32, #tpu.memory_space<hbm>> -> memref<32x1024xf32, #tpu.memory_space<hbm>>
    %dma_start3A_51 = arith.constant 0 : i32
    %dma_start3A_52 = tpu.memref_slice %arg4[%add3A_48, %dma_start3A_51] : memref<4096x1024xf32, #tpu.memory_space<hbm>> -> memref<32x1024xf32, #tpu.memory_space<hbm>>
    tpu.enqueue_dma source(%arg6 : memref<32x1024xf32, #tpu.memory_space<vmem>>) target(%dma_start3A_52 : memref<32x1024xf32, #tpu.memory_space<hbm>>) target_semaphore(%arg9 : memref<!tpu.dma_semaphore, #tpu.memory_space<semaphore_mem>>)
    %dma_wait3A_53 = arith.constant 0 : i32
    %dma_wait3A_54 = tpu.memref_slice %arg4[%add3A_28, %dma_wait3A_53] : memref<4096x1024xf32, #tpu.memory_space<hbm>> -> memref<32x1024xf32, #tpu.memory_space<hbm>>
    %dma_wait3A_55 = arith.constant 0 : i32
    %dma_wait3A_56 = tpu.memref_slice %arg4[%add3A_28, %dma_wait3A_55] : memref<4096x1024xf32, #tpu.memory_space<hbm>> -> memref<32x1024xf32, #tpu.memory_space<hbm>>
    tpu.wait_dma2 semaphore(%arg9 : memref<!tpu.dma_semaphore, #tpu.memory_space<semaphore_mem>>) src(%arg7 : memref<32x1024xf32, #tpu.memory_space<vmem>>) dst(%dma_wait3A_56 : memref<32x1024xf32, #tpu.memory_space<hbm>>)
    %dma_start3A_57 = arith.constant 96 : i32
    %dma_start3A_58 = tpu.memref_slice %arg5[%dma_start3A_57] : memref<128xi32, #tpu.memory_space<vmem>> -> memref<32xi32, #tpu.memory_space<vmem>>
    %dma_start3A_59 = arith.constant 0 : i32
    %dma_start3A_60 = arith.constant 0 : i32
    %dma_start3A_61 = tpu.memref_slice %arg2[%dma_start3A_59, %dma_start3A_60] : memref<8192x1024xf32, #tpu.memory_space<hbm>> -> memref<8192x1024xf32, #tpu.memory_space<hbm>>
    tpu.enqueue_indirect_dma source(%dma_start3A_61 : memref<8192x1024xf32, #tpu.memory_space<hbm>>) target(%arg7 : memref<32x1024xf32, #tpu.memory_space<vmem>>) offsets(%dma_start3A_58 : memref<32xi32, #tpu.memory_space<vmem>>) semaphore(%arg8 : memref<!tpu.dma_semaphore, #tpu.memory_space<semaphore_mem>>)
    %dma_wait3A_62 = arith.constant 96 : i32
    %dma_wait3A_63 = tpu.memref_slice %arg5[%dma_wait3A_62] : memref<128xi32, #tpu.memory_space<vmem>> -> memref<32xi32, #tpu.memory_space<vmem>>
    %dma_wait3A_64 = arith.constant 0 : i32
    %dma_wait3A_65 = arith.constant 0 : i32
    %dma_wait3A_66 = tpu.memref_slice %arg2[%dma_wait3A_64, %dma_wait3A_65] : memref<8192x1024xf32, #tpu.memory_space<hbm>> -> memref<8192x1024xf32, #tpu.memory_space<hbm>>
    tpu.wait_indirect_dma semaphore(%arg8 : memref<!tpu.dma_semaphore, #tpu.memory_space<semaphore_mem>>) src(%dma_wait3A_66 : memref<8192x1024xf32, #tpu.memory_space<hbm>>) dst(%arg7 : memref<32x1024xf32, #tpu.memory_space<vmem>>)
    %add3A_67 = arith.constant 96 : i32
    %add3A_68 = arith.addi %mul3A_2, %add3A_67 : i32
    %dma_start3A_69 = arith.constant 0 : i32
    %dma_start3A_70 = tpu.memref_slice %arg4[%add3A_68, %dma_start3A_69] : memref<4096x1024xf32, #tpu.memory_space<hbm>> -> memref<32x1024xf32, #tpu.memory_space<hbm>>
    %dma_start3A_71 = arith.constant 0 : i32
    %dma_start3A_72 = tpu.memref_slice %arg4[%add3A_68, %dma_start3A_71] : memref<4096x1024xf32, #tpu.memory_space<hbm>> -> memref<32x1024xf32, #tpu.memory_space<hbm>>
    tpu.enqueue_dma source(%arg7 : memref<32x1024xf32, #tpu.memory_space<vmem>>) target(%dma_start3A_72 : memref<32x1024xf32, #tpu.memory_space<hbm>>) target_semaphore(%arg9 : memref<!tpu.dma_semaphore, #tpu.memory_space<semaphore_mem>>)
    %dma_wait3A_73 = arith.constant 0 : i32
    %dma_wait3A_74 = tpu.memref_slice %arg4[%add3A_48, %dma_wait3A_73] : memref<4096x1024xf32, #tpu.memory_space<hbm>> -> memref<32x1024xf32, #tpu.memory_space<hbm>>
    %dma_wait3A_75 = arith.constant 0 : i32
    %dma_wait3A_76 = tpu.memref_slice %arg4[%add3A_48, %dma_wait3A_75] : memref<4096x1024xf32, #tpu.memory_space<hbm>> -> memref<32x1024xf32, #tpu.memory_space<hbm>>
    tpu.wait_dma2 semaphore(%arg9 : memref<!tpu.dma_semaphore, #tpu.memory_space<semaphore_mem>>) src(%arg6 : memref<32x1024xf32, #tpu.memory_space<vmem>>) dst(%dma_wait3A_76 : memref<32x1024xf32, #tpu.memory_space<hbm>>)
    %dma_wait3A_77 = arith.constant 0 : i32
    %dma_wait3A_78 = tpu.memref_slice %arg4[%add3A_68, %dma_wait3A_77] : memref<4096x1024xf32, #tpu.memory_space<hbm>> -> memref<32x1024xf32, #tpu.memory_space<hbm>>
    %dma_wait3A_79 = arith.constant 0 : i32
    %dma_wait3A_80 = tpu.memref_slice %arg4[%add3A_68, %dma_wait3A_79] : memref<4096x1024xf32, #tpu.memory_space<hbm>> -> memref<32x1024xf32, #tpu.memory_space<hbm>>
    tpu.wait_dma2 semaphore(%arg9 : memref<!tpu.dma_semaphore, #tpu.memory_space<semaphore_mem>>) src(%arg7 : memref<32x1024xf32, #tpu.memory_space<vmem>>) dst(%dma_wait3A_80 : memref<32x1024xf32, #tpu.memory_space<hbm>>)
    return
  }
}

#map = affine_map<(d0, d1) -> (0, 0)>
#map1 = affine_map<(d0, d1) -> (0)>
module attributes {stable_mosaic.version = 14 : i64} {
  func.func @k(%arg0: i32, %arg1: i32, %arg2: memref<2048x1024xf32, #tpu.memory_space<hbm>>, %arg3: memref<8192xi32, #tpu.memory_space<hbm>>, %arg4: memref<8192x1024xf32, #tpu.memory_space<hbm>>, %arg5: memref<256xi32, #tpu.memory_space<vmem>>, %arg6: memref<32x1024xf32, #tpu.memory_space<vmem>>, %arg7: memref<32x1024xf32, #tpu.memory_space<vmem>>, %arg8: memref<!tpu.dma_semaphore, #tpu.memory_space<semaphore_mem>>, %arg9: memref<!tpu.dma_semaphore, #tpu.memory_space<semaphore_mem>>) attributes {dimension_semantics = [#tpu.dimension_semantics<core_parallel>, #tpu.dimension_semantics<subcore_parallel>], iteration_bounds = array<i64: 2, 16>, scalar_prefetch = 0 : i64, scratch_operands = 5 : i64, tpu.core_type = #tpu.core_type<sc_vector_subcore>, window_params = [{transform_indices = #map}, {transform_indices = #map1}, {transform_indices = #map}]} {
    %mul3A = arith.constant 2 : i32
    %mul3A_0 = arith.muli %arg1, %mul3A : i32
    %add3A = arith.addi %mul3A_0, %arg0 : i32
    %mul3A_1 = arith.constant 256 : i32
    %mul3A_2 = arith.muli %add3A, %mul3A_1 : i32
    "tpu.region"() ({
      %run_scoped3A = tpu.sem_alloc : memref<!tpu.dma_semaphore, #tpu.memory_space<semaphore_mem>>
      %dma_start3A_161 = tpu.memref_slice %arg3[%mul3A_2] : memref<8192xi32, #tpu.memory_space<hbm>> -> memref<256xi32, #tpu.memory_space<hbm>>
      %dma_start3A_162 = tpu.memref_slice %arg3[%mul3A_2] : memref<8192xi32, #tpu.memory_space<hbm>> -> memref<256xi32, #tpu.memory_space<hbm>>
      tpu.enqueue_dma source(%dma_start3A_162 : memref<256xi32, #tpu.memory_space<hbm>>) target(%arg5 : memref<256xi32, #tpu.memory_space<vmem>>) target_semaphore(%run_scoped3A : memref<!tpu.dma_semaphore, #tpu.memory_space<semaphore_mem>>)
      %dma_wait3A_163 = tpu.memref_slice %arg3[%mul3A_2] : memref<8192xi32, #tpu.memory_space<hbm>> -> memref<256xi32, #tpu.memory_space<hbm>>
      %dma_wait3A_164 = tpu.memref_slice %arg3[%mul3A_2] : memref<8192xi32, #tpu.memory_space<hbm>> -> memref<256xi32, #tpu.memory_space<hbm>>
      tpu.wait_dma2 semaphore(%run_scoped3A : memref<!tpu.dma_semaphore, #tpu.memory_space<semaphore_mem>>) src(%dma_wait3A_164 : memref<256xi32, #tpu.memory_space<hbm>>) dst(%arg5 : memref<256xi32, #tpu.memory_space<vmem>>)
      tpu.yield
    }) : () -> ()
    %dma_start3A = arith.constant 0 : i32
    %dma_start3A_3 = tpu.memref_slice %arg5[%dma_start3A] : memref<256xi32, #tpu.memory_space<vmem>> -> memref<32xi32, #tpu.memory_space<vmem>>
    %dma_start3A_4 = arith.constant 0 : i32
    %dma_start3A_5 = arith.constant 0 : i32
    %dma_start3A_6 = tpu.memref_slice %arg2[%dma_start3A_4, %dma_start3A_5] : memref<2048x1024xf32, #tpu.memory_space<hbm>> -> memref<2048x1024xf32, #tpu.memory_space<hbm>>
    tpu.enqueue_indirect_dma source(%dma_start3A_6 : memref<2048x1024xf32, #tpu.memory_space<hbm>>) target(%arg6 : memref<32x1024xf32, #tpu.memory_space<vmem>>) offsets(%dma_start3A_3 : memref<32xi32, #tpu.memory_space<vmem>>) semaphore(%arg8 : memref<!tpu.dma_semaphore, #tpu.memory_space<semaphore_mem>>)
    %dma_wait3A = arith.constant 0 : i32
    %dma_wait3A_7 = tpu.memref_slice %arg5[%dma_wait3A] : memref<256xi32, #tpu.memory_space<vmem>> -> memref<32xi32, #tpu.memory_space<vmem>>
    %dma_wait3A_8 = arith.constant 0 : i32
    %dma_wait3A_9 = arith.constant 0 : i32
    %dma_wait3A_10 = tpu.memref_slice %arg2[%dma_wait3A_8, %dma_wait3A_9] : memref<2048x1024xf32, #tpu.memory_space<hbm>> -> memref<2048x1024xf32, #tpu.memory_space<hbm>>
    tpu.wait_indirect_dma semaphore(%arg8 : memref<!tpu.dma_semaphore, #tpu.memory_space<semaphore_mem>>) src(%dma_wait3A_10 : memref<2048x1024xf32, #tpu.memory_space<hbm>>) dst(%arg6 : memref<32x1024xf32, #tpu.memory_space<vmem>>)
    %add3A_11 = arith.constant 0 : i32
    %add3A_12 = arith.addi %mul3A_2, %add3A_11 : i32
    %dma_start3A_13 = arith.constant 0 : i32
    %dma_start3A_14 = tpu.memref_slice %arg4[%add3A_12, %dma_start3A_13] : memref<8192x1024xf32, #tpu.memory_space<hbm>> -> memref<32x1024xf32, #tpu.memory_space<hbm>>
    %dma_start3A_15 = arith.constant 0 : i32
    %dma_start3A_16 = tpu.memref_slice %arg4[%add3A_12, %dma_start3A_15] : memref<8192x1024xf32, #tpu.memory_space<hbm>> -> memref<32x1024xf32, #tpu.memory_space<hbm>>
    tpu.enqueue_dma source(%arg6 : memref<32x1024xf32, #tpu.memory_space<vmem>>) target(%dma_start3A_16 : memref<32x1024xf32, #tpu.memory_space<hbm>>) target_semaphore(%arg9 : memref<!tpu.dma_semaphore, #tpu.memory_space<semaphore_mem>>)
    %dma_start3A_17 = arith.constant 32 : i32
    %dma_start3A_18 = tpu.memref_slice %arg5[%dma_start3A_17] : memref<256xi32, #tpu.memory_space<vmem>> -> memref<32xi32, #tpu.memory_space<vmem>>
    %dma_start3A_19 = arith.constant 0 : i32
    %dma_start3A_20 = arith.constant 0 : i32
    %dma_start3A_21 = tpu.memref_slice %arg2[%dma_start3A_19, %dma_start3A_20] : memref<2048x1024xf32, #tpu.memory_space<hbm>> -> memref<2048x1024xf32, #tpu.memory_space<hbm>>
    tpu.enqueue_indirect_dma source(%dma_start3A_21 : memref<2048x1024xf32, #tpu.memory_space<hbm>>) target(%arg7 : memref<32x1024xf32, #tpu.memory_space<vmem>>) offsets(%dma_start3A_18 : memref<32xi32, #tpu.memory_space<vmem>>) semaphore(%arg8 : memref<!tpu.dma_semaphore, #tpu.memory_space<semaphore_mem>>)
    %dma_wait3A_22 = arith.constant 32 : i32
    %dma_wait3A_23 = tpu.memref_slice %arg5[%dma_wait3A_22] : memref<256xi32, #tpu.memory_space<vmem>> -> memref<32xi32, #tpu.memory_space<vmem>>
    %dma_wait3A_24 = arith.constant 0 : i32
    %dma_wait3A_25 = arith.constant 0 : i32
    %dma_wait3A_26 = tpu.memref_slice %arg2[%dma_wait3A_24, %dma_wait3A_25] : memref<2048x1024xf32, #tpu.memory_space<hbm>> -> memref<2048x1024xf32, #tpu.memory_space<hbm>>
    tpu.wait_indirect_dma semaphore(%arg8 : memref<!tpu.dma_semaphore, #tpu.memory_space<semaphore_mem>>) src(%dma_wait3A_26 : memref<2048x1024xf32, #tpu.memory_space<hbm>>) dst(%arg7 : memref<32x1024xf32, #tpu.memory_space<vmem>>)
    %add3A_27 = arith.constant 32 : i32
    %add3A_28 = arith.addi %mul3A_2, %add3A_27 : i32
    %dma_start3A_29 = arith.constant 0 : i32
    %dma_start3A_30 = tpu.memref_slice %arg4[%add3A_28, %dma_start3A_29] : memref<8192x1024xf32, #tpu.memory_space<hbm>> -> memref<32x1024xf32, #tpu.memory_space<hbm>>
    %dma_start3A_31 = arith.constant 0 : i32
    %dma_start3A_32 = tpu.memref_slice %arg4[%add3A_28, %dma_start3A_31] : memref<8192x1024xf32, #tpu.memory_space<hbm>> -> memref<32x1024xf32, #tpu.memory_space<hbm>>
    tpu.enqueue_dma source(%arg7 : memref<32x1024xf32, #tpu.memory_space<vmem>>) target(%dma_start3A_32 : memref<32x1024xf32, #tpu.memory_space<hbm>>) target_semaphore(%arg9 : memref<!tpu.dma_semaphore, #tpu.memory_space<semaphore_mem>>)
    %dma_wait3A_33 = arith.constant 0 : i32
    %dma_wait3A_34 = tpu.memref_slice %arg4[%add3A_12, %dma_wait3A_33] : memref<8192x1024xf32, #tpu.memory_space<hbm>> -> memref<32x1024xf32, #tpu.memory_space<hbm>>
    %dma_wait3A_35 = arith.constant 0 : i32
    %dma_wait3A_36 = tpu.memref_slice %arg4[%add3A_12, %dma_wait3A_35] : memref<8192x1024xf32, #tpu.memory_space<hbm>> -> memref<32x1024xf32, #tpu.memory_space<hbm>>
    tpu.wait_dma2 semaphore(%arg9 : memref<!tpu.dma_semaphore, #tpu.memory_space<semaphore_mem>>) src(%arg6 : memref<32x1024xf32, #tpu.memory_space<vmem>>) dst(%dma_wait3A_36 : memref<32x1024xf32, #tpu.memory_space<hbm>>)
    %dma_start3A_37 = arith.constant 64 : i32
    %dma_start3A_38 = tpu.memref_slice %arg5[%dma_start3A_37] : memref<256xi32, #tpu.memory_space<vmem>> -> memref<32xi32, #tpu.memory_space<vmem>>
    %dma_start3A_39 = arith.constant 0 : i32
    %dma_start3A_40 = arith.constant 0 : i32
    %dma_start3A_41 = tpu.memref_slice %arg2[%dma_start3A_39, %dma_start3A_40] : memref<2048x1024xf32, #tpu.memory_space<hbm>> -> memref<2048x1024xf32, #tpu.memory_space<hbm>>
    tpu.enqueue_indirect_dma source(%dma_start3A_41 : memref<2048x1024xf32, #tpu.memory_space<hbm>>) target(%arg6 : memref<32x1024xf32, #tpu.memory_space<vmem>>) offsets(%dma_start3A_38 : memref<32xi32, #tpu.memory_space<vmem>>) semaphore(%arg8 : memref<!tpu.dma_semaphore, #tpu.memory_space<semaphore_mem>>)
    %dma_wait3A_42 = arith.constant 64 : i32
    %dma_wait3A_43 = tpu.memref_slice %arg5[%dma_wait3A_42] : memref<256xi32, #tpu.memory_space<vmem>> -> memref<32xi32, #tpu.memory_space<vmem>>
    %dma_wait3A_44 = arith.constant 0 : i32
    %dma_wait3A_45 = arith.constant 0 : i32
    %dma_wait3A_46 = tpu.memref_slice %arg2[%dma_wait3A_44, %dma_wait3A_45] : memref<2048x1024xf32, #tpu.memory_space<hbm>> -> memref<2048x1024xf32, #tpu.memory_space<hbm>>
    tpu.wait_indirect_dma semaphore(%arg8 : memref<!tpu.dma_semaphore, #tpu.memory_space<semaphore_mem>>) src(%dma_wait3A_46 : memref<2048x1024xf32, #tpu.memory_space<hbm>>) dst(%arg6 : memref<32x1024xf32, #tpu.memory_space<vmem>>)
    %add3A_47 = arith.constant 64 : i32
    %add3A_48 = arith.addi %mul3A_2, %add3A_47 : i32
    %dma_start3A_49 = arith.constant 0 : i32
    %dma_start3A_50 = tpu.memref_slice %arg4[%add3A_48, %dma_start3A_49] : memref<8192x1024xf32, #tpu.memory_space<hbm>> -> memref<32x1024xf32, #tpu.memory_space<hbm>>
    %dma_start3A_51 = arith.constant 0 : i32
    %dma_start3A_52 = tpu.memref_slice %arg4[%add3A_48, %dma_start3A_51] : memref<8192x1024xf32, #tpu.memory_space<hbm>> -> memref<32x1024xf32, #tpu.memory_space<hbm>>
    tpu.enqueue_dma source(%arg6 : memref<32x1024xf32, #tpu.memory_space<vmem>>) target(%dma_start3A_52 : memref<32x1024xf32, #tpu.memory_space<hbm>>) target_semaphore(%arg9 : memref<!tpu.dma_semaphore, #tpu.memory_space<semaphore_mem>>)
    %dma_wait3A_53 = arith.constant 0 : i32
    %dma_wait3A_54 = tpu.memref_slice %arg4[%add3A_28, %dma_wait3A_53] : memref<8192x1024xf32, #tpu.memory_space<hbm>> -> memref<32x1024xf32, #tpu.memory_space<hbm>>
    %dma_wait3A_55 = arith.constant 0 : i32
    %dma_wait3A_56 = tpu.memref_slice %arg4[%add3A_28, %dma_wait3A_55] : memref<8192x1024xf32, #tpu.memory_space<hbm>> -> memref<32x1024xf32, #tpu.memory_space<hbm>>
    tpu.wait_dma2 semaphore(%arg9 : memref<!tpu.dma_semaphore, #tpu.memory_space<semaphore_mem>>) src(%arg7 : memref<32x1024xf32, #tpu.memory_space<vmem>>) dst(%dma_wait3A_56 : memref<32x1024xf32, #tpu.memory_space<hbm>>)
    %dma_start3A_57 = arith.constant 96 : i32
    %dma_start3A_58 = tpu.memref_slice %arg5[%dma_start3A_57] : memref<256xi32, #tpu.memory_space<vmem>> -> memref<32xi32, #tpu.memory_space<vmem>>
    %dma_start3A_59 = arith.constant 0 : i32
    %dma_start3A_60 = arith.constant 0 : i32
    %dma_start3A_61 = tpu.memref_slice %arg2[%dma_start3A_59, %dma_start3A_60] : memref<2048x1024xf32, #tpu.memory_space<hbm>> -> memref<2048x1024xf32, #tpu.memory_space<hbm>>
    tpu.enqueue_indirect_dma source(%dma_start3A_61 : memref<2048x1024xf32, #tpu.memory_space<hbm>>) target(%arg7 : memref<32x1024xf32, #tpu.memory_space<vmem>>) offsets(%dma_start3A_58 : memref<32xi32, #tpu.memory_space<vmem>>) semaphore(%arg8 : memref<!tpu.dma_semaphore, #tpu.memory_space<semaphore_mem>>)
    %dma_wait3A_62 = arith.constant 96 : i32
    %dma_wait3A_63 = tpu.memref_slice %arg5[%dma_wait3A_62] : memref<256xi32, #tpu.memory_space<vmem>> -> memref<32xi32, #tpu.memory_space<vmem>>
    %dma_wait3A_64 = arith.constant 0 : i32
    %dma_wait3A_65 = arith.constant 0 : i32
    %dma_wait3A_66 = tpu.memref_slice %arg2[%dma_wait3A_64, %dma_wait3A_65] : memref<2048x1024xf32, #tpu.memory_space<hbm>> -> memref<2048x1024xf32, #tpu.memory_space<hbm>>
    tpu.wait_indirect_dma semaphore(%arg8 : memref<!tpu.dma_semaphore, #tpu.memory_space<semaphore_mem>>) src(%dma_wait3A_66 : memref<2048x1024xf32, #tpu.memory_space<hbm>>) dst(%arg7 : memref<32x1024xf32, #tpu.memory_space<vmem>>)
    %add3A_67 = arith.constant 96 : i32
    %add3A_68 = arith.addi %mul3A_2, %add3A_67 : i32
    %dma_start3A_69 = arith.constant 0 : i32
    %dma_start3A_70 = tpu.memref_slice %arg4[%add3A_68, %dma_start3A_69] : memref<8192x1024xf32, #tpu.memory_space<hbm>> -> memref<32x1024xf32, #tpu.memory_space<hbm>>
    %dma_start3A_71 = arith.constant 0 : i32
    %dma_start3A_72 = tpu.memref_slice %arg4[%add3A_68, %dma_start3A_71] : memref<8192x1024xf32, #tpu.memory_space<hbm>> -> memref<32x1024xf32, #tpu.memory_space<hbm>>
    tpu.enqueue_dma source(%arg7 : memref<32x1024xf32, #tpu.memory_space<vmem>>) target(%dma_start3A_72 : memref<32x1024xf32, #tpu.memory_space<hbm>>) target_semaphore(%arg9 : memref<!tpu.dma_semaphore, #tpu.memory_space<semaphore_mem>>)
    %dma_wait3A_73 = arith.constant 0 : i32
    %dma_wait3A_74 = tpu.memref_slice %arg4[%add3A_48, %dma_wait3A_73] : memref<8192x1024xf32, #tpu.memory_space<hbm>> -> memref<32x1024xf32, #tpu.memory_space<hbm>>
    %dma_wait3A_75 = arith.constant 0 : i32
    %dma_wait3A_76 = tpu.memref_slice %arg4[%add3A_48, %dma_wait3A_75] : memref<8192x1024xf32, #tpu.memory_space<hbm>> -> memref<32x1024xf32, #tpu.memory_space<hbm>>
    tpu.wait_dma2 semaphore(%arg9 : memref<!tpu.dma_semaphore, #tpu.memory_space<semaphore_mem>>) src(%arg6 : memref<32x1024xf32, #tpu.memory_space<vmem>>) dst(%dma_wait3A_76 : memref<32x1024xf32, #tpu.memory_space<hbm>>)
    %dma_start3A_77 = arith.constant 128 : i32
    %dma_start3A_78 = tpu.memref_slice %arg5[%dma_start3A_77] : memref<256xi32, #tpu.memory_space<vmem>> -> memref<32xi32, #tpu.memory_space<vmem>>
    %dma_start3A_79 = arith.constant 0 : i32
    %dma_start3A_80 = arith.constant 0 : i32
    %dma_start3A_81 = tpu.memref_slice %arg2[%dma_start3A_79, %dma_start3A_80] : memref<2048x1024xf32, #tpu.memory_space<hbm>> -> memref<2048x1024xf32, #tpu.memory_space<hbm>>
    tpu.enqueue_indirect_dma source(%dma_start3A_81 : memref<2048x1024xf32, #tpu.memory_space<hbm>>) target(%arg6 : memref<32x1024xf32, #tpu.memory_space<vmem>>) offsets(%dma_start3A_78 : memref<32xi32, #tpu.memory_space<vmem>>) semaphore(%arg8 : memref<!tpu.dma_semaphore, #tpu.memory_space<semaphore_mem>>)
    %dma_wait3A_82 = arith.constant 128 : i32
    %dma_wait3A_83 = tpu.memref_slice %arg5[%dma_wait3A_82] : memref<256xi32, #tpu.memory_space<vmem>> -> memref<32xi32, #tpu.memory_space<vmem>>
    %dma_wait3A_84 = arith.constant 0 : i32
    %dma_wait3A_85 = arith.constant 0 : i32
    %dma_wait3A_86 = tpu.memref_slice %arg2[%dma_wait3A_84, %dma_wait3A_85] : memref<2048x1024xf32, #tpu.memory_space<hbm>> -> memref<2048x1024xf32, #tpu.memory_space<hbm>>
    tpu.wait_indirect_dma semaphore(%arg8 : memref<!tpu.dma_semaphore, #tpu.memory_space<semaphore_mem>>) src(%dma_wait3A_86 : memref<2048x1024xf32, #tpu.memory_space<hbm>>) dst(%arg6 : memref<32x1024xf32, #tpu.memory_space<vmem>>)
    %add3A_87 = arith.constant 128 : i32
    %add3A_88 = arith.addi %mul3A_2, %add3A_87 : i32
    %dma_start3A_89 = arith.constant 0 : i32
    %dma_start3A_90 = tpu.memref_slice %arg4[%add3A_88, %dma_start3A_89] : memref<8192x1024xf32, #tpu.memory_space<hbm>> -> memref<32x1024xf32, #tpu.memory_space<hbm>>
    %dma_start3A_91 = arith.constant 0 : i32
    %dma_start3A_92 = tpu.memref_slice %arg4[%add3A_88, %dma_start3A_91] : memref<8192x1024xf32, #tpu.memory_space<hbm>> -> memref<32x1024xf32, #tpu.memory_space<hbm>>
    tpu.enqueue_dma source(%arg6 : memref<32x1024xf32, #tpu.memory_space<vmem>>) target(%dma_start3A_92 : memref<32x1024xf32, #tpu.memory_space<hbm>>) target_semaphore(%arg9 : memref<!tpu.dma_semaphore, #tpu.memory_space<semaphore_mem>>)
    %dma_wait3A_93 = arith.constant 0 : i32
    %dma_wait3A_94 = tpu.memref_slice %arg4[%add3A_68, %dma_wait3A_93] : memref<8192x1024xf32, #tpu.memory_space<hbm>> -> memref<32x1024xf32, #tpu.memory_space<hbm>>
    %dma_wait3A_95 = arith.constant 0 : i32
    %dma_wait3A_96 = tpu.memref_slice %arg4[%add3A_68, %dma_wait3A_95] : memref<8192x1024xf32, #tpu.memory_space<hbm>> -> memref<32x1024xf32, #tpu.memory_space<hbm>>
    tpu.wait_dma2 semaphore(%arg9 : memref<!tpu.dma_semaphore, #tpu.memory_space<semaphore_mem>>) src(%arg7 : memref<32x1024xf32, #tpu.memory_space<vmem>>) dst(%dma_wait3A_96 : memref<32x1024xf32, #tpu.memory_space<hbm>>)
    %dma_start3A_97 = arith.constant 160 : i32
    %dma_start3A_98 = tpu.memref_slice %arg5[%dma_start3A_97] : memref<256xi32, #tpu.memory_space<vmem>> -> memref<32xi32, #tpu.memory_space<vmem>>
    %dma_start3A_99 = arith.constant 0 : i32
    %dma_start3A_100 = arith.constant 0 : i32
    %dma_start3A_101 = tpu.memref_slice %arg2[%dma_start3A_99, %dma_start3A_100] : memref<2048x1024xf32, #tpu.memory_space<hbm>> -> memref<2048x1024xf32, #tpu.memory_space<hbm>>
    tpu.enqueue_indirect_dma source(%dma_start3A_101 : memref<2048x1024xf32, #tpu.memory_space<hbm>>) target(%arg7 : memref<32x1024xf32, #tpu.memory_space<vmem>>) offsets(%dma_start3A_98 : memref<32xi32, #tpu.memory_space<vmem>>) semaphore(%arg8 : memref<!tpu.dma_semaphore, #tpu.memory_space<semaphore_mem>>)
    %dma_wait3A_102 = arith.constant 160 : i32
    %dma_wait3A_103 = tpu.memref_slice %arg5[%dma_wait3A_102] : memref<256xi32, #tpu.memory_space<vmem>> -> memref<32xi32, #tpu.memory_space<vmem>>
    %dma_wait3A_104 = arith.constant 0 : i32
    %dma_wait3A_105 = arith.constant 0 : i32
    %dma_wait3A_106 = tpu.memref_slice %arg2[%dma_wait3A_104, %dma_wait3A_105] : memref<2048x1024xf32, #tpu.memory_space<hbm>> -> memref<2048x1024xf32, #tpu.memory_space<hbm>>
    tpu.wait_indirect_dma semaphore(%arg8 : memref<!tpu.dma_semaphore, #tpu.memory_space<semaphore_mem>>) src(%dma_wait3A_106 : memref<2048x1024xf32, #tpu.memory_space<hbm>>) dst(%arg7 : memref<32x1024xf32, #tpu.memory_space<vmem>>)
    %add3A_107 = arith.constant 160 : i32
    %add3A_108 = arith.addi %mul3A_2, %add3A_107 : i32
    %dma_start3A_109 = arith.constant 0 : i32
    %dma_start3A_110 = tpu.memref_slice %arg4[%add3A_108, %dma_start3A_109] : memref<8192x1024xf32, #tpu.memory_space<hbm>> -> memref<32x1024xf32, #tpu.memory_space<hbm>>
    %dma_start3A_111 = arith.constant 0 : i32
    %dma_start3A_112 = tpu.memref_slice %arg4[%add3A_108, %dma_start3A_111] : memref<8192x1024xf32, #tpu.memory_space<hbm>> -> memref<32x1024xf32, #tpu.memory_space<hbm>>
    tpu.enqueue_dma source(%arg7 : memref<32x1024xf32, #tpu.memory_space<vmem>>) target(%dma_start3A_112 : memref<32x1024xf32, #tpu.memory_space<hbm>>) target_semaphore(%arg9 : memref<!tpu.dma_semaphore, #tpu.memory_space<semaphore_mem>>)
    %dma_wait3A_113 = arith.constant 0 : i32
    %dma_wait3A_114 = tpu.memref_slice %arg4[%add3A_88, %dma_wait3A_113] : memref<8192x1024xf32, #tpu.memory_space<hbm>> -> memref<32x1024xf32, #tpu.memory_space<hbm>>
    %dma_wait3A_115 = arith.constant 0 : i32
    %dma_wait3A_116 = tpu.memref_slice %arg4[%add3A_88, %dma_wait3A_115] : memref<8192x1024xf32, #tpu.memory_space<hbm>> -> memref<32x1024xf32, #tpu.memory_space<hbm>>
    tpu.wait_dma2 semaphore(%arg9 : memref<!tpu.dma_semaphore, #tpu.memory_space<semaphore_mem>>) src(%arg6 : memref<32x1024xf32, #tpu.memory_space<vmem>>) dst(%dma_wait3A_116 : memref<32x1024xf32, #tpu.memory_space<hbm>>)
    %dma_start3A_117 = arith.constant 192 : i32
    %dma_start3A_118 = tpu.memref_slice %arg5[%dma_start3A_117] : memref<256xi32, #tpu.memory_space<vmem>> -> memref<32xi32, #tpu.memory_space<vmem>>
    %dma_start3A_119 = arith.constant 0 : i32
    %dma_start3A_120 = arith.constant 0 : i32
    %dma_start3A_121 = tpu.memref_slice %arg2[%dma_start3A_119, %dma_start3A_120] : memref<2048x1024xf32, #tpu.memory_space<hbm>> -> memref<2048x1024xf32, #tpu.memory_space<hbm>>
    tpu.enqueue_indirect_dma source(%dma_start3A_121 : memref<2048x1024xf32, #tpu.memory_space<hbm>>) target(%arg6 : memref<32x1024xf32, #tpu.memory_space<vmem>>) offsets(%dma_start3A_118 : memref<32xi32, #tpu.memory_space<vmem>>) semaphore(%arg8 : memref<!tpu.dma_semaphore, #tpu.memory_space<semaphore_mem>>)
    %dma_wait3A_122 = arith.constant 192 : i32
    %dma_wait3A_123 = tpu.memref_slice %arg5[%dma_wait3A_122] : memref<256xi32, #tpu.memory_space<vmem>> -> memref<32xi32, #tpu.memory_space<vmem>>
    %dma_wait3A_124 = arith.constant 0 : i32
    %dma_wait3A_125 = arith.constant 0 : i32
    %dma_wait3A_126 = tpu.memref_slice %arg2[%dma_wait3A_124, %dma_wait3A_125] : memref<2048x1024xf32, #tpu.memory_space<hbm>> -> memref<2048x1024xf32, #tpu.memory_space<hbm>>
    tpu.wait_indirect_dma semaphore(%arg8 : memref<!tpu.dma_semaphore, #tpu.memory_space<semaphore_mem>>) src(%dma_wait3A_126 : memref<2048x1024xf32, #tpu.memory_space<hbm>>) dst(%arg6 : memref<32x1024xf32, #tpu.memory_space<vmem>>)
    %add3A_127 = arith.constant 192 : i32
    %add3A_128 = arith.addi %mul3A_2, %add3A_127 : i32
    %dma_start3A_129 = arith.constant 0 : i32
    %dma_start3A_130 = tpu.memref_slice %arg4[%add3A_128, %dma_start3A_129] : memref<8192x1024xf32, #tpu.memory_space<hbm>> -> memref<32x1024xf32, #tpu.memory_space<hbm>>
    %dma_start3A_131 = arith.constant 0 : i32
    %dma_start3A_132 = tpu.memref_slice %arg4[%add3A_128, %dma_start3A_131] : memref<8192x1024xf32, #tpu.memory_space<hbm>> -> memref<32x1024xf32, #tpu.memory_space<hbm>>
    tpu.enqueue_dma source(%arg6 : memref<32x1024xf32, #tpu.memory_space<vmem>>) target(%dma_start3A_132 : memref<32x1024xf32, #tpu.memory_space<hbm>>) target_semaphore(%arg9 : memref<!tpu.dma_semaphore, #tpu.memory_space<semaphore_mem>>)
    %dma_wait3A_133 = arith.constant 0 : i32
    %dma_wait3A_134 = tpu.memref_slice %arg4[%add3A_108, %dma_wait3A_133] : memref<8192x1024xf32, #tpu.memory_space<hbm>> -> memref<32x1024xf32, #tpu.memory_space<hbm>>
    %dma_wait3A_135 = arith.constant 0 : i32
    %dma_wait3A_136 = tpu.memref_slice %arg4[%add3A_108, %dma_wait3A_135] : memref<8192x1024xf32, #tpu.memory_space<hbm>> -> memref<32x1024xf32, #tpu.memory_space<hbm>>
    tpu.wait_dma2 semaphore(%arg9 : memref<!tpu.dma_semaphore, #tpu.memory_space<semaphore_mem>>) src(%arg7 : memref<32x1024xf32, #tpu.memory_space<vmem>>) dst(%dma_wait3A_136 : memref<32x1024xf32, #tpu.memory_space<hbm>>)
    %dma_start3A_137 = arith.constant 224 : i32
    %dma_start3A_138 = tpu.memref_slice %arg5[%dma_start3A_137] : memref<256xi32, #tpu.memory_space<vmem>> -> memref<32xi32, #tpu.memory_space<vmem>>
    %dma_start3A_139 = arith.constant 0 : i32
    %dma_start3A_140 = arith.constant 0 : i32
    %dma_start3A_141 = tpu.memref_slice %arg2[%dma_start3A_139, %dma_start3A_140] : memref<2048x1024xf32, #tpu.memory_space<hbm>> -> memref<2048x1024xf32, #tpu.memory_space<hbm>>
    tpu.enqueue_indirect_dma source(%dma_start3A_141 : memref<2048x1024xf32, #tpu.memory_space<hbm>>) target(%arg7 : memref<32x1024xf32, #tpu.memory_space<vmem>>) offsets(%dma_start3A_138 : memref<32xi32, #tpu.memory_space<vmem>>) semaphore(%arg8 : memref<!tpu.dma_semaphore, #tpu.memory_space<semaphore_mem>>)
    %dma_wait3A_142 = arith.constant 224 : i32
    %dma_wait3A_143 = tpu.memref_slice %arg5[%dma_wait3A_142] : memref<256xi32, #tpu.memory_space<vmem>> -> memref<32xi32, #tpu.memory_space<vmem>>
    %dma_wait3A_144 = arith.constant 0 : i32
    %dma_wait3A_145 = arith.constant 0 : i32
    %dma_wait3A_146 = tpu.memref_slice %arg2[%dma_wait3A_144, %dma_wait3A_145] : memref<2048x1024xf32, #tpu.memory_space<hbm>> -> memref<2048x1024xf32, #tpu.memory_space<hbm>>
    tpu.wait_indirect_dma semaphore(%arg8 : memref<!tpu.dma_semaphore, #tpu.memory_space<semaphore_mem>>) src(%dma_wait3A_146 : memref<2048x1024xf32, #tpu.memory_space<hbm>>) dst(%arg7 : memref<32x1024xf32, #tpu.memory_space<vmem>>)
    %add3A_147 = arith.constant 224 : i32
    %add3A_148 = arith.addi %mul3A_2, %add3A_147 : i32
    %dma_start3A_149 = arith.constant 0 : i32
    %dma_start3A_150 = tpu.memref_slice %arg4[%add3A_148, %dma_start3A_149] : memref<8192x1024xf32, #tpu.memory_space<hbm>> -> memref<32x1024xf32, #tpu.memory_space<hbm>>
    %dma_start3A_151 = arith.constant 0 : i32
    %dma_start3A_152 = tpu.memref_slice %arg4[%add3A_148, %dma_start3A_151] : memref<8192x1024xf32, #tpu.memory_space<hbm>> -> memref<32x1024xf32, #tpu.memory_space<hbm>>
    tpu.enqueue_dma source(%arg7 : memref<32x1024xf32, #tpu.memory_space<vmem>>) target(%dma_start3A_152 : memref<32x1024xf32, #tpu.memory_space<hbm>>) target_semaphore(%arg9 : memref<!tpu.dma_semaphore, #tpu.memory_space<semaphore_mem>>)
    %dma_wait3A_153 = arith.constant 0 : i32
    %dma_wait3A_154 = tpu.memref_slice %arg4[%add3A_128, %dma_wait3A_153] : memref<8192x1024xf32, #tpu.memory_space<hbm>> -> memref<32x1024xf32, #tpu.memory_space<hbm>>
    %dma_wait3A_155 = arith.constant 0 : i32
    %dma_wait3A_156 = tpu.memref_slice %arg4[%add3A_128, %dma_wait3A_155] : memref<8192x1024xf32, #tpu.memory_space<hbm>> -> memref<32x1024xf32, #tpu.memory_space<hbm>>
    tpu.wait_dma2 semaphore(%arg9 : memref<!tpu.dma_semaphore, #tpu.memory_space<semaphore_mem>>) src(%arg6 : memref<32x1024xf32, #tpu.memory_space<vmem>>) dst(%dma_wait3A_156 : memref<32x1024xf32, #tpu.memory_space<hbm>>)
    %dma_wait3A_157 = arith.constant 0 : i32
    %dma_wait3A_158 = tpu.memref_slice %arg4[%add3A_148, %dma_wait3A_157] : memref<8192x1024xf32, #tpu.memory_space<hbm>> -> memref<32x1024xf32, #tpu.memory_space<hbm>>
    %dma_wait3A_159 = arith.constant 0 : i32
    %dma_wait3A_160 = tpu.memref_slice %arg4[%add3A_148, %dma_wait3A_159] : memref<8192x1024xf32, #tpu.memory_space<hbm>> -> memref<32x1024xf32, #tpu.memory_space<hbm>>
    tpu.wait_dma2 semaphore(%arg9 : memref<!tpu.dma_semaphore, #tpu.memory_space<semaphore_mem>>) src(%arg7 : memref<32x1024xf32, #tpu.memory_space<vmem>>) dst(%dma_wait3A_160 : memref<32x1024xf32, #tpu.memory_space<hbm>>)
    return
  }
}

module attributes {stable_mosaic.version = 14 : i64} {
  func.func @_router_body(%arg0: memref<2048x1024xf32, #tpu.memory_space<vmem>>, %arg1: memref<64x1024xf32, #tpu.memory_space<vmem>>, %arg2: memref<2048x2xf32, #tpu.memory_space<vmem>>, %arg3: memref<2048x2xi32, #tpu.memory_space<vmem>>) attributes {dimension_semantics = [], scalar_prefetch = 0 : i64, scratch_operands = 0 : i64, tpu.core_type = #tpu.core_type<tc>} {
    %get3A = arith.constant 0 : index
    %get3A_0 = arith.constant 0 : index
    %get3A_1 = vector.load %arg0[%get3A, %get3A_0] : memref<2048x1024xf32, #tpu.memory_space<vmem>>, vector<2048x1024xf32>
    %get3A_2 = arith.constant 0 : index
    %get3A_3 = arith.constant 0 : index
    %get3A_4 = vector.load %arg1[%get3A_2, %get3A_3] : memref<64x1024xf32, #tpu.memory_space<vmem>>, vector<64x1024xf32>
    %dot_general3A = arith.constant dense<0.000000e+00> : vector<2048x64xf32>
    %dot_general3A_5 = tpu.matmul %get3A_1, %get3A_4, %dot_general3A {dimension_numbers = #tpu.dot_dimension_numbers<[1], [1], [0], [0], [0, 0, 1, 0], [], []>, transpose_lhs_hint = false} : vector<2048x1024xf32>, vector<64x1024xf32>, vector<2048x64xf32> -> vector<2048x64xf32>
    %reduce_max3A = arith.constant dense<0xFF800000> : vector<2048xf32>
    %reduce_max3A_6 = vector.multi_reduction <maximumf>, %dot_general3A_5, %reduce_max3A [1] : vector<2048x64xf32> to vector<2048xf32>
    %broadcast_in_dim3A = vector.shape_cast %reduce_max3A_6 : vector<2048xf32> to vector<2048x1xf32>
    %sub3A = vector.broadcast %broadcast_in_dim3A : vector<2048x1xf32> to vector<2048x64xf32>
    %sub3A_7 = arith.subf %dot_general3A_5, %sub3A : vector<2048x64xf32>
    %exp3A = math.exp %sub3A_7 : vector<2048x64xf32>
    %iota3A = tpu.iota {dimensions = array<i32: 1>} : vector<2048x64xi32>
    %reduce_max3A_8 = arith.constant dense<0xFF800000> : vector<2048xf32>
    %reduce_max3A_9 = vector.multi_reduction <maximumf>, %exp3A, %reduce_max3A_8 [1] : vector<2048x64xf32> to vector<2048xf32>
    %broadcast_in_dim3A_10 = vector.shape_cast %reduce_max3A_9 : vector<2048xf32> to vector<2048x1xf32>
    %ge3A = vector.broadcast %broadcast_in_dim3A_10 : vector<2048x1xf32> to vector<2048x64xf32>
    %ge3A_11 = arith.cmpf oge, %exp3A, %ge3A : vector<2048x64xf32>
    %jit3A = arith.constant 64 : i32
    %broadcast_in_dim3A_12 = vector.broadcast %jit3A : i32 to vector<2048x64xi32>
    %select_n3A = arith.select %ge3A_11, %iota3A, %broadcast_in_dim3A_12 : vector<2048x64xi1>, vector<2048x64xi32>
    %reduce_min3A = arith.constant dense<2147483647> : vector<2048xi32>
    %reduce_min3A_13 = vector.multi_reduction <minsi>, %select_n3A, %reduce_min3A [1] : vector<2048x64xi32> to vector<2048xi32>
    %broadcast_in_dim3A_14 = vector.shape_cast %reduce_min3A_13 : vector<2048xi32> to vector<2048x1xi32>
    %eq3A = vector.broadcast %broadcast_in_dim3A_14 : vector<2048x1xi32> to vector<2048x64xi32>
    %eq3A_15 = arith.cmpi eq, %iota3A, %eq3A : vector<2048x64xi32>
    %jit3A_16 = arith.constant 0xFF800000 : f32
    %broadcast_in_dim3A_17 = vector.broadcast %jit3A_16 : f32 to vector<2048x64xf32>
    %select_n3A_18 = arith.select %eq3A_15, %broadcast_in_dim3A_17, %exp3A : vector<2048x64xi1>, vector<2048x64xf32>
    %reduce_max3A_19 = arith.constant dense<0xFF800000> : vector<2048xf32>
    %reduce_max3A_20 = vector.multi_reduction <maximumf>, %select_n3A_18, %reduce_max3A_19 [1] : vector<2048x64xf32> to vector<2048xf32>
    %broadcast_in_dim3A_21 = vector.shape_cast %reduce_max3A_20 : vector<2048xf32> to vector<2048x1xf32>
    %ge3A_22 = vector.broadcast %broadcast_in_dim3A_21 : vector<2048x1xf32> to vector<2048x64xf32>
    %ge3A_23 = arith.cmpf oge, %select_n3A_18, %ge3A_22 : vector<2048x64xf32>
    %jit3A_24 = arith.constant 64 : i32
    %broadcast_in_dim3A_25 = vector.broadcast %jit3A_24 : i32 to vector<2048x64xi32>
    %select_n3A_26 = arith.select %ge3A_23, %iota3A, %broadcast_in_dim3A_25 : vector<2048x64xi1>, vector<2048x64xi32>
    %reduce_min3A_27 = arith.constant dense<2147483647> : vector<2048xi32>
    %reduce_min3A_28 = vector.multi_reduction <minsi>, %select_n3A_26, %reduce_min3A_27 [1] : vector<2048x64xi32> to vector<2048xi32>
    %broadcast_in_dim3A_29 = vector.shape_cast %reduce_min3A_28 : vector<2048xi32> to vector<2048x1xi32>
    %add3A = arith.addf %broadcast_in_dim3A_10, %broadcast_in_dim3A_21 : vector<2048x1xf32>
    %div3A = arith.divf %broadcast_in_dim3A_10, %add3A : vector<2048x1xf32>
    %div3A_30 = arith.divf %broadcast_in_dim3A_21, %add3A : vector<2048x1xf32>
    %concatenate3A = tpu.concatenate %div3A, %div3A_30 in 1 : vector<2048x1xf32>, vector<2048x1xf32> -> vector<2048x2xf32>
    %swap3A = arith.constant 0 : index
    %swap3A_31 = arith.constant 0 : index
    %swap3A_32 = vector.load %arg2[%swap3A, %swap3A_31] : memref<2048x2xf32, #tpu.memory_space<vmem>>, vector<2048x2xf32>
    tpu.vector_store %arg2[%swap3A, %swap3A_31], %concatenate3A {strides = array<i32>} : memref<2048x2xf32, #tpu.memory_space<vmem>>, vector<2048x2xf32>,
    %concatenate3A_33 = tpu.concatenate %broadcast_in_dim3A_14, %broadcast_in_dim3A_29 in 1 : vector<2048x1xi32>, vector<2048x1xi32> -> vector<2048x2xi32>
    %swap3A_34 = arith.constant 0 : index
    %swap3A_35 = arith.constant 0 : index
    %swap3A_36 = vector.load %arg3[%swap3A_34, %swap3A_35] : memref<2048x2xi32, #tpu.memory_space<vmem>>, vector<2048x2xi32>
    tpu.vector_store %arg3[%swap3A_34, %swap3A_35], %concatenate3A_33 {strides = array<i32>} : memref<2048x2xi32, #tpu.memory_space<vmem>>, vector<2048x2xi32>,
    return
  }
}

module attributes {stable_mosaic.version = 14 : i64} {
  func.func @_grouped_body(%arg0: i32, %arg1: memref<128xi32, #tpu.memory_space<smem>>, %arg2: memref<128xi32, #tpu.memory_space<smem>>, %arg3: memref<64x1024xf32, #tpu.memory_space<vmem>>, %arg4: memref<1x1024x1024xf32, #tpu.memory_space<vmem>>, %arg5: memref<1x1024x512xf32, #tpu.memory_space<vmem>>, %arg6: memref<1x64x1xf32, #tpu.memory_space<vmem>>, %arg7: memref<64x1024xf32, #tpu.memory_space<vmem>>) attributes {dimension_semantics = [#tpu.dimension_semantics<arbitrary>], iteration_bounds = array<i64: 128>, scalar_prefetch = 2 : i64, scratch_operands = 0 : i64, tpu.core_type = #tpu.core_type<tc>, window_params = [{transform_indices = @transform_0, window_bounds = array<i64: 64, 1024>}, {transform_indices = @transform_1, window_bounds = array<i64: 1, 1024, 1024>}, {transform_indices = @transform_2, window_bounds = array<i64: 1, 1024, 512>}, {transform_indices = @transform_3, window_bounds = array<i64: 1, 64, 1>}, {transform_indices = @transform_4, window_bounds = array<i64: 64, 1024>}]} {
    %get3A = arith.index_cast %arg0 : i32 to index
    %get3A_0 = memref.load %arg2[%get3A] : memref<128xi32, #tpu.memory_space<smem>>
    %ne3A = arith.constant 0 : i32
    %ne3A_1 = arith.cmpi ne, %get3A_0, %ne3A : i32
    %convert_element_type3A = arith.extui %ne3A_1 : i1 to i32
    %cond3A = arith.constant 0 : i32
    %cond3A_2 = arith.cmpi ne, %convert_element_type3A, %cond3A : i32
    scf.if %cond3A_2 {
      %get3A_3 = arith.constant 0 : index
      %get3A_4 = arith.constant 0 : index
      %get3A_5 = vector.load %arg3[%get3A_3, %get3A_4] : memref<64x1024xf32, #tpu.memory_space<vmem>>, vector<64x1024xf32>
      %convert_element_type3A_6 = arith.truncf %get3A_5 : vector<64x1024xf32> to vector<64x1024xbf16>
      %get3A_7 = arith.constant 0 : index
      %get3A_8 = arith.constant 0 : index
      %get3A_9 = arith.constant 0 : index
      %get3A_10 = vector.load %arg4[%get3A_7, %get3A_8, %get3A_9] : memref<1x1024x1024xf32, #tpu.memory_space<vmem>>, vector<1x1024x1024xf32>
      %get3A_11 = vector.shape_cast %get3A_10 : vector<1x1024x1024xf32> to vector<1024x1024xf32>
      %convert_element_type3A_12 = arith.truncf %get3A_11 : vector<1024x1024xf32> to vector<1024x1024xbf16>
      %dot_general3A = arith.constant dense<0.000000e+00> : vector<64x1024xf32>
      %dot_general3A_13 = tpu.matmul %convert_element_type3A_6, %convert_element_type3A_12, %dot_general3A {dimension_numbers = #tpu.dot_dimension_numbers<[1], [1], [0], [0], [0, 0, 1, 0], [], []>, transpose_lhs_hint = false} : vector<64x1024xbf16>, vector<1024x1024xbf16>, vector<64x1024xf32> -> vector<64x1024xf32>
      %slice3A = vector.extract_strided_slice %dot_general3A_13 {offsets = [0, 0], sizes = [64, 512], strides = [1, 1]} : vector<64x1024xf32> to vector<64x512xf32>
      %slice3A_14 = vector.extract_strided_slice %dot_general3A_13 {offsets = [0, 512], sizes = [64, 512], strides = [1, 1]} : vector<64x1024xf32> to vector<64x512xf32>
      %logistic3A = arith.negf %slice3A : vector<64x512xf32>
      %logistic3A_15 = math.exp %logistic3A : vector<64x512xf32>
      %logistic3A_16 = arith.constant 1.000000e+00 : f32
      %logistic3A_17 = vector.broadcast %logistic3A_16 : f32 to vector<64x512xf32>
      %logistic3A_18 = arith.addf %logistic3A_17, %logistic3A_15 : vector<64x512xf32>
      %logistic3A_19 = arith.divf %logistic3A_17, %logistic3A_18 : vector<64x512xf32>
      %mul3A = arith.mulf %slice3A, %logistic3A_19 : vector<64x512xf32>
      %mul3A_20 = arith.mulf %mul3A, %slice3A_14 : vector<64x512xf32>
      %get3A_21 = arith.constant 0 : index
      %get3A_22 = arith.constant 0 : index
      %get3A_23 = arith.constant 0 : index
      %get3A_24 = vector.load %arg5[%get3A_21, %get3A_22, %get3A_23] : memref<1x1024x512xf32, #tpu.memory_space<vmem>>, vector<1x1024x512xf32>
      %get3A_25 = vector.shape_cast %get3A_24 : vector<1x1024x512xf32> to vector<1024x512xf32>
      %convert_element_type3A_26 = arith.truncf %get3A_25 : vector<1024x512xf32> to vector<1024x512xbf16>
      %convert_element_type3A_27 = arith.truncf %mul3A_20 : vector<64x512xf32> to vector<64x512xbf16>
      %dot_general3A_28 = arith.constant dense<0.000000e+00> : vector<64x1024xf32>
      %dot_general3A_29 = tpu.matmul %convert_element_type3A_27, %convert_element_type3A_26, %dot_general3A_28 {dimension_numbers = #tpu.dot_dimension_numbers<[1], [1], [0], [0], [0, 0, 1, 0], [], []>, transpose_lhs_hint = false} : vector<64x512xbf16>, vector<1024x512xbf16>, vector<64x1024xf32> -> vector<64x1024xf32>
      %get3A_30 = arith.constant 0 : index
      %get3A_31 = arith.constant 0 : index
      %get3A_32 = arith.constant 0 : index
      %get3A_33 = vector.load %arg6[%get3A_30, %get3A_31, %get3A_32] : memref<1x64x1xf32, #tpu.memory_space<vmem>>, vector<1x64x1xf32>
      %get3A_34 = vector.shape_cast %get3A_33 : vector<1x64x1xf32> to vector<64x1xf32>
      %mul3A_35 = vector.broadcast %get3A_34 : vector<64x1xf32> to vector<64x1024xf32>
      %mul3A_36 = arith.mulf %dot_general3A_29, %mul3A_35 : vector<64x1024xf32>
      %swap3A = arith.constant 0 : index
      %swap3A_37 = arith.constant 0 : index
      %swap3A_38 = vector.load %arg7[%swap3A, %swap3A_37] : memref<64x1024xf32, #tpu.memory_space<vmem>>, vector<64x1024xf32>
      tpu.vector_store %arg7[%swap3A, %swap3A_37], %mul3A_36 {strides = array<i32>} : memref<64x1024xf32, #tpu.memory_space<vmem>>, vector<64x1024xf32>,
    } else {
    }
    return
  }
  func.func @transform_0(%arg0: i32, %arg1: memref<128xi32, #tpu.memory_space<smem>>, %arg2: memref<128xi32, #tpu.memory_space<smem>>) -> (i32, i32) {
    %get3A = arith.index_cast %arg0 : i32 to index
    %get3A_0 = memref.load %arg2[%get3A] : memref<128xi32, #tpu.memory_space<smem>>
    %ne3A = arith.constant 0 : i32
    %ne3A_1 = arith.cmpi ne, %get3A_0, %ne3A : i32
    %jit3A = arith.constant 0 : i32
    %select_n3A = arith.select %ne3A_1, %arg0, %jit3A : i32
    %c0_i32 = arith.constant 0 : i32
    %c0_i32_2 = arith.constant 0 : i32
    return %select_n3A, %c0_i32 : i32, i32
  }
  func.func @transform_1(%arg0: i32, %arg1: memref<128xi32, #tpu.memory_space<smem>>, %arg2: memref<128xi32, #tpu.memory_space<smem>>) -> (i32, i32, i32) {
    %get3A = arith.index_cast %arg0 : i32 to index
    %get3A_0 = memref.load %arg1[%get3A] : memref<128xi32, #tpu.memory_space<smem>>
    %c0_i32 = arith.constant 0 : i32
    %c0_i32_1 = arith.constant 0 : i32
    %c0_i32_2 = arith.constant 0 : i32
    return %get3A_0, %c0_i32, %c0_i32_1 : i32, i32, i32
  }
  func.func @transform_2(%arg0: i32, %arg1: memref<128xi32, #tpu.memory_space<smem>>, %arg2: memref<128xi32, #tpu.memory_space<smem>>) -> (i32, i32, i32) {
    %get3A = arith.index_cast %arg0 : i32 to index
    %get3A_0 = memref.load %arg1[%get3A] : memref<128xi32, #tpu.memory_space<smem>>
    %c0_i32 = arith.constant 0 : i32
    %c0_i32_1 = arith.constant 0 : i32
    %c0_i32_2 = arith.constant 0 : i32
    return %get3A_0, %c0_i32, %c0_i32_1 : i32, i32, i32
  }
  func.func @transform_3(%arg0: i32, %arg1: memref<128xi32, #tpu.memory_space<smem>>, %arg2: memref<128xi32, #tpu.memory_space<smem>>) -> (i32, i32, i32) {
    %get3A = arith.index_cast %arg0 : i32 to index
    %get3A_0 = memref.load %arg2[%get3A] : memref<128xi32, #tpu.memory_space<smem>>
    %ne3A = arith.constant 0 : i32
    %ne3A_1 = arith.cmpi ne, %get3A_0, %ne3A : i32
    %jit3A = arith.constant 0 : i32
    %select_n3A = arith.select %ne3A_1, %arg0, %jit3A : i32
    %c0_i32 = arith.constant 0 : i32
    %c0_i32_2 = arith.constant 0 : i32
    %c0_i32_3 = arith.constant 0 : i32
    return %select_n3A, %c0_i32, %c0_i32_2 : i32, i32, i32
  }
  func.func @transform_4(%arg0: i32, %arg1: memref<128xi32, #tpu.memory_space<smem>>, %arg2: memref<128xi32, #tpu.memory_space<smem>>) -> (i32, i32) {
    %get3A = arith.index_cast %arg0 : i32 to index
    %get3A_0 = memref.load %arg2[%get3A] : memref<128xi32, #tpu.memory_space<smem>>
    %ne3A = arith.constant 0 : i32
    %ne3A_1 = arith.cmpi ne, %get3A_0, %ne3A : i32
    %jit3A = arith.constant 127 : i32
    %select_n3A = arith.select %ne3A_1, %arg0, %jit3A : i32
    %c0_i32 = arith.constant 0 : i32
    %c0_i32_2 = arith.constant 0 : i32
    return %select_n3A, %c0_i32 : i32, i32
  }
}

module attributes {stable_mosaic.version = 14 : i64} {
  func.func @_shared_body(%arg0: i32, %arg1: memref<256x1024xf32, #tpu.memory_space<vmem>>, %arg2: memref<1024x1024xf32, #tpu.memory_space<vmem>>, %arg3: memref<1024x1024xf32, #tpu.memory_space<vmem>>, %arg4: memref<1024x1024xf32, #tpu.memory_space<vmem>>, %arg5: memref<1x1024xf32, #tpu.memory_space<vmem>>, %arg6: memref<256x1024xf32, #tpu.memory_space<vmem>>, %arg7: memref<256x1024xf32, #tpu.memory_space<vmem>>, %arg8: memref<256x1024xf32, #tpu.memory_space<vmem>>) attributes {dimension_semantics = [#tpu.dimension_semantics<arbitrary>], iteration_bounds = array<i64: 8>, scalar_prefetch = 0 : i64, scratch_operands = 0 : i64, tpu.core_type = #tpu.core_type<tc>, window_params = [{transform_indices = @transform_0, window_bounds = array<i64: 256, 1024>}, {pipeline_mode = #tpu.pipeline_mode<synchronous>, transform_indices = @transform_1, window_bounds = array<i64: 1024, 1024>}, {pipeline_mode = #tpu.pipeline_mode<synchronous>, transform_indices = @transform_2, window_bounds = array<i64: 1024, 1024>}, {pipeline_mode = #tpu.pipeline_mode<synchronous>, transform_indices = @transform_3, window_bounds = array<i64: 1024, 1024>}, {pipeline_mode = #tpu.pipeline_mode<synchronous>, transform_indices = @transform_4, window_bounds = array<i64: 1, 1024>}, {transform_indices = @transform_5, window_bounds = array<i64: 256, 1024>}, {transform_indices = @transform_6, window_bounds = array<i64: 256, 1024>}, {transform_indices = @transform_7, window_bounds = array<i64: 256, 1024>}]} {
    %get3A = arith.constant 0 : index
    %get3A_0 = arith.constant 0 : index
    %get3A_1 = vector.load %arg1[%get3A, %get3A_0] : memref<256x1024xf32, #tpu.memory_space<vmem>>, vector<256x1024xf32>
    %convert_element_type3A = arith.truncf %get3A_1 : vector<256x1024xf32> to vector<256x1024xbf16>
    %get3A_2 = arith.constant 0 : index
    %get3A_3 = arith.constant 0 : index
    %get3A_4 = vector.load %arg2[%get3A_2, %get3A_3] : memref<1024x1024xf32, #tpu.memory_space<vmem>>, vector<1024x1024xf32>
    %convert_element_type3A_5 = arith.truncf %get3A_4 : vector<1024x1024xf32> to vector<1024x1024xbf16>
    %get3A_6 = arith.constant 0 : index
    %get3A_7 = arith.constant 0 : index
    %get3A_8 = vector.load %arg3[%get3A_6, %get3A_7] : memref<1024x1024xf32, #tpu.memory_space<vmem>>, vector<1024x1024xf32>
    %convert_element_type3A_9 = arith.truncf %get3A_8 : vector<1024x1024xf32> to vector<1024x1024xbf16>
    %dot_general3A = arith.constant dense<0.000000e+00> : vector<256x1024xf32>
    %dot_general3A_10 = tpu.matmul %convert_element_type3A, %convert_element_type3A_5, %dot_general3A {dimension_numbers = #tpu.dot_dimension_numbers<[1], [1], [0], [0], [0, 0, 1, 0], [], []>, transpose_lhs_hint = false} : vector<256x1024xbf16>, vector<1024x1024xbf16>, vector<256x1024xf32> -> vector<256x1024xf32>
    %dot_general3A_11 = arith.constant dense<0.000000e+00> : vector<256x1024xf32>
    %dot_general3A_12 = tpu.matmul %convert_element_type3A, %convert_element_type3A_9, %dot_general3A_11 {dimension_numbers = #tpu.dot_dimension_numbers<[1], [1], [0], [0], [0, 0, 1, 0], [], []>, transpose_lhs_hint = false} : vector<256x1024xbf16>, vector<1024x1024xbf16>, vector<256x1024xf32> -> vector<256x1024xf32>
    %logistic3A = arith.negf %dot_general3A_10 : vector<256x1024xf32>
    %logistic3A_13 = math.exp %logistic3A : vector<256x1024xf32>
    %logistic3A_14 = arith.constant 1.000000e+00 : f32
    %logistic3A_15 = vector.broadcast %logistic3A_14 : f32 to vector<256x1024xf32>
    %logistic3A_16 = arith.addf %logistic3A_15, %logistic3A_13 : vector<256x1024xf32>
    %logistic3A_17 = arith.divf %logistic3A_15, %logistic3A_16 : vector<256x1024xf32>
    %mul3A = arith.mulf %dot_general3A_10, %logistic3A_17 : vector<256x1024xf32>
    %mul3A_18 = arith.mulf %mul3A, %dot_general3A_12 : vector<256x1024xf32>
    %get3A_19 = arith.constant 0 : index
    %get3A_20 = arith.constant 0 : index
    %get3A_21 = vector.load %arg4[%get3A_19, %get3A_20] : memref<1024x1024xf32, #tpu.memory_space<vmem>>, vector<1024x1024xf32>
    %convert_element_type3A_22 = arith.truncf %get3A_21 : vector<1024x1024xf32> to vector<1024x1024xbf16>
    %convert_element_type3A_23 = arith.truncf %mul3A_18 : vector<256x1024xf32> to vector<256x1024xbf16>
    %dot_general3A_24 = arith.constant dense<0.000000e+00> : vector<256x1024xf32>
    %dot_general3A_25 = tpu.matmul %convert_element_type3A_23, %convert_element_type3A_22, %dot_general3A_24 {dimension_numbers = #tpu.dot_dimension_numbers<[1], [1], [0], [0], [0, 0, 1, 0], [], []>, transpose_lhs_hint = false} : vector<256x1024xbf16>, vector<1024x1024xbf16>, vector<256x1024xf32> -> vector<256x1024xf32>
    %get3A_26 = arith.constant 0 : index
    %get3A_27 = arith.constant 0 : index
    %get3A_28 = vector.load %arg5[%get3A_26, %get3A_27] : memref<1x1024xf32, #tpu.memory_space<vmem>>, vector<1x1024xf32>
    %get3A_29 = arith.constant 0 : index
    %get3A_30 = arith.constant 0 : index
    %get3A_31 = vector.load %arg1[%get3A_29, %get3A_30] : memref<256x1024xf32, #tpu.memory_space<vmem>>, vector<256x1024xf32>
    %dot_general3A_32 = arith.constant dense<0.000000e+00> : vector<256x1xf32>
    %dot_general3A_33 = tpu.matmul %get3A_31, %get3A_28, %dot_general3A_32 {dimension_numbers = #tpu.dot_dimension_numbers<[1], [1], [0], [0], [0, 0, 1, 0], [], []>, transpose_lhs_hint = false} : vector<256x1024xf32>, vector<1x1024xf32>, vector<256x1xf32> -> vector<256x1xf32>
    %logistic3A_34 = arith.negf %dot_general3A_33 : vector<256x1xf32>
    %logistic3A_35 = math.exp %logistic3A_34 : vector<256x1xf32>
    %logistic3A_36 = arith.constant 1.000000e+00 : f32
    %logistic3A_37 = vector.broadcast %logistic3A_36 : f32 to vector<256x1xf32>
    %logistic3A_38 = arith.addf %logistic3A_37, %logistic3A_35 : vector<256x1xf32>
    %logistic3A_39 = arith.divf %logistic3A_37, %logistic3A_38 : vector<256x1xf32>
    %mul3A_40 = vector.broadcast %logistic3A_39 : vector<256x1xf32> to vector<256x1024xf32>
    %mul3A_41 = arith.mulf %dot_general3A_25, %mul3A_40 : vector<256x1024xf32>
    %get3A_42 = arith.constant 0 : index
    %get3A_43 = arith.constant 0 : index
    %get3A_44 = vector.load %arg6[%get3A_42, %get3A_43] : memref<256x1024xf32, #tpu.memory_space<vmem>>, vector<256x1024xf32>
    %add3A = arith.addf %mul3A_41, %get3A_44 : vector<256x1024xf32>
    %get3A_45 = arith.constant 0 : index
    %get3A_46 = arith.constant 0 : index
    %get3A_47 = vector.load %arg7[%get3A_45, %get3A_46] : memref<256x1024xf32, #tpu.memory_space<vmem>>, vector<256x1024xf32>
    %add3A_48 = arith.addf %add3A, %get3A_47 : vector<256x1024xf32>
    %swap3A = arith.constant 0 : index
    %swap3A_49 = arith.constant 0 : index
    %swap3A_50 = vector.load %arg8[%swap3A, %swap3A_49] : memref<256x1024xf32, #tpu.memory_space<vmem>>, vector<256x1024xf32>
    tpu.vector_store %arg8[%swap3A, %swap3A_49], %add3A_48 {strides = array<i32>} : memref<256x1024xf32, #tpu.memory_space<vmem>>, vector<256x1024xf32>,
    return
  }
  func.func @transform_0(%arg0: i32) -> (i32, i32) {
    %c0_i32 = arith.constant 0 : i32
    %c0_i32_0 = arith.constant 0 : i32
    return %arg0, %c0_i32 : i32, i32
  }
  func.func @transform_1(%arg0: i32) -> (i32, i32) {
    %c0_i32 = arith.constant 0 : i32
    %c0_i32_0 = arith.constant 0 : i32
    %c0_i32_1 = arith.constant 0 : i32
    return %c0_i32, %c0_i32_0 : i32, i32
  }
  func.func @transform_2(%arg0: i32) -> (i32, i32) {
    %c0_i32 = arith.constant 0 : i32
    %c0_i32_0 = arith.constant 0 : i32
    %c0_i32_1 = arith.constant 0 : i32
    return %c0_i32, %c0_i32_0 : i32, i32
  }
  func.func @transform_3(%arg0: i32) -> (i32, i32) {
    %c0_i32 = arith.constant 0 : i32
    %c0_i32_0 = arith.constant 0 : i32
    %c0_i32_1 = arith.constant 0 : i32
    return %c0_i32, %c0_i32_0 : i32, i32
  }
  func.func @transform_4(%arg0: i32) -> (i32, i32) {
    %c0_i32 = arith.constant 0 : i32
    %c0_i32_0 = arith.constant 0 : i32
    %c0_i32_1 = arith.constant 0 : i32
    return %c0_i32, %c0_i32_0 : i32, i32
  }
  func.func @transform_5(%arg0: i32) -> (i32, i32) {
    %c0_i32 = arith.constant 0 : i32
    %c0_i32_0 = arith.constant 0 : i32
    return %arg0, %c0_i32 : i32, i32
  }
  func.func @transform_6(%arg0: i32) -> (i32, i32) {
    %add3A = arith.constant 8 : i32
    %add3A_0 = arith.addi %arg0, %add3A : i32
    %c0_i32 = arith.constant 0 : i32
    %c0_i32_1 = arith.constant 0 : i32
    return %add3A_0, %c0_i32 : i32, i32
  }
  func.func @transform_7(%arg0: i32) -> (i32, i32) {
    %c0_i32 = arith.constant 0 : i32
    %c0_i32_0 = arith.constant 0 : i32
    return %arg0, %c0_i32 : i32, i32
  }
}

</mosaic_0001>

<sc_bundles>
// kernel: kernel.10.cloned.1.call-start
scs
__scs_entry_jumppad:
0x0: {  	(pc) =	sbr.rel $0x88, $3  }
0x1: {  	(tag) =	ssettag $0x0;
	lr =	simm.s32 $0x1  }
0x2: {  	[smem:$0x3F99] =	sst lr;
	_ =	strace $0xD0000000  }
0x3: {  	_ = 	snop  }
0x4: {  	_ = 	snop  }
0x5: {  	_ = 	snop  }
0x6: {  	_ = 	snop  }
0x7: {  	_ = 	snop  }
__scs_overlays_trampoline_lowered:
0x8: {  	[smem:$0x3FA8] =	sst s0  }
0x9: {  	[smem:$0x3FA9] =	sst s1  }
0xa: {  	[smem:$0x3FAA] =	sst s2  }
0xb: {  	[smem:$0x3FAB] =	sst s3  }
0xc: {  	[smem:$0x3FAC] =	sst s4  }
0xd: {  	[smem:$0x3FAD] =	sst s5  }
0xe: {  	[smem:$0x3FAE] =	sst s6  }
0xf: {  	[smem:$0x3FAF] =	sst s7  }
0x10: {  	[smem:$0x3FB0] =	sst s8  }
0x11: {  	[smem:$0x3FB1] =	sst s9;
	s0 =	simm.s32 @!p0 $0x0  }
0x12: {  	s1 =	sld [smem:$0x3F97];
	s0 =	simm.s32 @p0 $0x1  }
0x13: {  	[smem:$0x3FB2] =	sst s0;
	s0 =	simm.s32 @!p1 $0x0  }
0x14: {  	s2 =	sld [smem:$0x3F96];
	s0 =	simm.s32 @p1 $0x1  }
0x15: {  	[smem:$0x3FB3] =	sst s0;
	s0 =	simm.s32 @!p2 $0x0  }
0x16: {  	s3 =	sld [smem:$0x3FDB];
	s0 =	simm.s32 @p2 $0x1  }
0x17: {  	s4 =	simm.s32 $0x1BF5;
	[smem:$0x3FB5] =	sst s0  }
0x18: {  	s0 =	sld [smem:$0x3F98];
	_ =	swait.ge [sflag:s4], $0x0  }
0x19: {  	s7 =	sld [smem:$0x3F99]  }
0x1a: {  	s8 =	sadd.s32 $0xFFFFE003, lr  }
0x1b: {  	s9 =	sadd.s32 $0xFFFFFEF7, lr;
	s5 =	simm.s32 $0xFFFFFFFF;
	p2 =	slt.u32 s8, $0xFFFFF086  }
0x1c: {  	p1 =	slt.u32 s9, $0xF7A;
	s5 =	simm.s32 @!p2 $0x0  }
0x1d: {  	s5 =	simm.s32 @p1 $0x1;
	p0 =	seq.s32 s7, s2  }
0x1e: {  	s7 =	smul.u32 @!p0 $0xF7A, s2;
	p2 =	seq.s32 @!p0 s5, $0x0  }
0x1f: {  	s9 =	smul.u32 $0xF7A, s1;
	s8 =	simm.s32 @!p0 $0x1BF5;
	p2 =	por !p2, p0  }
0x20: {  	[sflag:s8] =	ssyncset.s32 @!p0 $0xFFFFF086;
	s6 =	sadd.s32 @!p0 s3, s7;
	s7 =	simm.s32 @!p0 $0x108  }
0x21: {  	s3 =	sadd.s32 s3, s9;
	s6 =	sadd.s32 @!p0 $0x88, s6;
	s7 =	simm.s32 @p2 $0x1082  }
0x22: {  	[simem:s7], [sflag:s8] =	dma.local @!p0 [hbm:s6], $0xF7A  }
0x23: {  	s9 =	sor.u32 $0xD0000000, s2;
	s6 =	simm.s32 $0x108;
	_ =	swait.ge @!p0 [sflag:s8], $0x0  }
0x24: {  	s3 =	sadd.s32 $0x88, s3;
	s6 =	simm.s32 @!p1 $0x1082;
	[sflag:s4] =	ssyncset.s32 $0xFFFFF086  }
0x25: {  	[simem:s6], [sflag:s4] =	dma.local [hbm:s3], $0xF7A  }
0x26: {  	[smem:$0x3F99] =	sst s1;
	(tag) =	ssettag s2;
	_ =	strace s9  }
0x27: {  	s1 =	sld [smem:$0x3FA9]  }
0x28: {  	s2 =	sld [smem:$0x3FAA]  }
0x29: {  	s4 =	sld [smem:$0x3FAC]  }
0x2a: {  	p0 =	seq.s32 s5, $0x0;
	s5 =	sld [smem:$0x3FAD]  }
0x2b: {  	s6 =	sld [smem:$0x3FAE]  }
0x2c: {  	s7 =	sld [smem:$0x3FAF]  }
0x2d: {  	s3 =	simm.s32 $0x108;
	s8 =	sld [smem:$0x3FB0]  }
0x2e: {  	s3 =	simm.s32 @!p0 $0x1082;
	s9 =	sld [smem:$0x3FB1]  }
0x2f: {  	lr =	sadd.s32 s0, s3;
	s0 =	sld [smem:$0x3FA8]  }
0x30: {  	s3 =	sld [smem:$0x3FAB]  }
0x31: {  	[smem:$0x3FB4] =	sst s10  }
0x32: {  	s10 =	sld [smem:$0x3FB2];
	_ =	sdelay $0x3  }
0x33: {  	p0 =	seq.s32 s10, $0x1;
	s10 =	sld [smem:$0x3FB4];
	_ =	sdelay $0x3  }
0x34: {  	[smem:$0x3FB4] =	sst s10  }
0x35: {  	s10 =	sld [smem:$0x3FB3];
	_ =	sdelay $0x3  }
0x36: {  	p1 =	seq.s32 s10, $0x1;
	s10 =	sld [smem:$0x3FB4];
	_ =	sdelay $0x3  }
0x37: {  	[smem:$0x3FB4] =	sst s10  }
0x38: {  	s10 =	sld [smem:$0x3FB5]  }
0x39: {  	_ = 	snop;
	(pc) =	sbr.ind lr, $3  }
0x3a: {  	_ = 	snop  }
0x3b: {  	_ = 	snop  }
0x3c: {  	p2 =	seq.s32 s10, $0x1;
	s10 =	sld [smem:$0x3FB4]  }
0x3d: {  	_ =	shalt  }
0x3e: {  	_ =	shalt  }
0x3f: {  	_ =	shalt  }
0x40: {  	_ =	shalt  }
0x41: {  	_ =	shalt  }
0x42: {  	_ =	shalt  }
0x43: {  	_ =	shalt  }
0x44: {  	_ =	shalt  }
0x45: {  	_ =	shalt  }
0x46: {  	_ =	shalt  }
0x47: {  	_ =	shalt  }
0x48: {  	_ =	shalt  }
0x49: {  	_ =	shalt  }
0x4a: {  	_ =	shalt  }
0x4b: {  	_ =	shalt  }
0x4c: {  	_ =	shalt  }
0x4d: {  	_ =	shalt  }
0x4e: {  	_ =	shalt  }
0x4f: {  	_ =	shalt  }
0x50: {  	_ =	shalt  }
0x51: {  	_ =	shalt  }
0x52: {  	_ =	shalt  }
0x53: {  	_ =	shalt  }
0x54: {  	_ =	shalt  }
0x55: {  	_ =	shalt  }
0x56: {  	_ =	shalt  }
0x57: {  	_ =	shalt  }
0x58: {  	_ =	shalt  }
0x59: {  	_ =	shalt  }
0x5a: {  	_ =	shalt  }
0x5b: {  	_ =	shalt  }
0x5c: {  	_ =	shalt  }
0x5d: {  	_ =	shalt  }
0x5e: {  	_ =	shalt  }
0x5f: {  	_ =	shalt  }
0x60: {  	_ =	shalt  }
0x61: {  	_ =	shalt  }
0x62: {  	_ =	shalt  }
0x63: {  	_ =	shalt  }
0x64: {  	_ =	shalt  }
0x65: {  	_ =	shalt  }
0x66: {  	_ =	shalt  }
0x67: {  	_ =	shalt  }
0x68: {  	_ =	shalt  }
0x69: {  	_ =	shalt  }
0x6a: {  	_ =	shalt  }
0x6b: {  	_ =	shalt  }
0x6c: {  	_ =	shalt  }
0x6d: {  	_ =	shalt  }
0x6e: {  	_ =	shalt  }
0x6f: {  	_ =	shalt  }
0x70: {  	_ =	shalt  }
0x71: {  	_ =	shalt  }
0x72: {  	_ =	shalt  }
0x73: {  	_ =	shalt  }
0x74: {  	_ =	shalt  }
0x75: {  	_ =	shalt  }
0x76: {  	_ =	shalt  }
0x77: {  	_ =	shalt  }
0x78: {  	_ =	shalt  }
0x79: {  	_ =	shalt  }
0x7a: {  	_ =	shalt  }
0x7b: {  	_ =	shalt  }
0x7c: {  	_ =	shalt  }
0x7d: {  	_ =	shalt  }
0x7e: {  	_ =	shalt  }
0x7f: {  	_ =	shalt  }
0x80: {  	_ =	shalt  }
0x81: {  	_ =	shalt  }
0x82: {  	_ =	shalt  }
0x83: {  	_ =	shalt  }
0x84: {  	_ =	shalt  }
0x85: {  	_ =	shalt  }
0x86: {  	_ =	shalt  }
0x87: {  	_ =	shalt  }
.Lfunc_end0:
.L_simem_size_0:
called_computation.1_lowered:
.L_overlay_start_0:
0x88: {  	s2 =	sld [smem:$0x3FD9]  }
0x89: {  	s3 =	sld [smem:$0x3FFE];
	_ =	sdelay $0x1  }
0x8a: {  	s1 =	srdreg.scid  }
0x8b: {  	s0 =	sand.u32 $0x1, s1  }
0x8c: {  	s16 =	sshll.u32 s0, $0xA;
	s2 =	sadd.s32 s3, s2  }
0x8d: {  	s2 =	sadd.s32 s2, s16  }
0x8e: {  	[smem:$0x3FC0] =	sst s2  }
0x8f: {  	_ = 	snop  }
0x90: {  	(tm) =	ssettm $0x1  }
0x91: {  	s17 =	sld [smem:$0x3FFB];
	_ =	sdelay $0x3  }
0x92: {  	_ =	strace s17  }
0x93: {  	s2 =	sld [smem:$0x3FFC];
	_ =	sdelay $0x3  }
0x94: {  	_ =	strace s2  }
0x95: {  	s2 =	sld [smem:$0x3FFD];
	_ =	sdelay $0x3  }
0x96: {  	_ =	strace s2  }
0x97: {  	_ =	strace $0x8FFFFFFF  }
0x98: {  	s18 =	sld [smem:$0x3FDB];
	_ =	sdelay $0x1  }
0x99: {  	s19 =	simm.s32 $_scs_section_size  }
0x9a: {  	s4 =	simm.s32 $_size__tile_overlayer_lowered;
	s5 =	simm.s32 $_tile_overlayer_lowered  }
0x9b: {  	s22 =	simm.s32 $0x1BFF;
	s21 =	sshll.u32 s5, $0x1;
	s2 =	sadd.s32 s19, s18  }
0x9c: {  	s6 =	simm.s32 $0x0;
	s20 =	sshll.u32 s4, $0x1;
	s4 =	sadd.s32 s21, s2  }
0x9d: {  	[timem:s6], [sflag:s22] =	dma.local [hbm:s4], s20  }
0x9e: {  	_ =	swait.ge [sflag:s22], s20  }
0x9f: {  	s3 =	ssub.s32 $0x0, s20;
	[sflag:s22] =	ssyncset.done $0x0  }
0xa0: {  	[sflag:s22] =	ssyncadd.s32 s3;
	_ =	sdelay $0x1  }
0xa1: {  	s23 =	simm.s32 $0x1B8B  }
0xa2: {  	_ =	swait.ge [sflag:s23], $0x1  }
0xa3: {  	[sflag:s23] =	ssyncset.done $0x0  }
0xa4: {  	s25 =	simm.s32 $0x1B8E;
	s24 =	sld [smem:$0x3FFE];
	[sflag:s23] =	ssyncadd.s32 $0xFFFFFFFF  }
0xa5: {  	s26 =	simm.s32 $execute0_lowered;
	[smem:$0x3FD2] =	sst s25  }
0xa6: {  	s4 =	sshll.u32 s26, $0x1;
	_ =	strace $0x80000049;
	[dreg:$0x1] =	wrdreg $0xFFFFFFFF  }
0xa7: {  	s28 =	simm.s32 $_size_execute0_lowered;
	s2 =	sadd.s32 s2, s4;
	[dreg:$0x0] =	wrdreg $0x0  }
0xa8: {  	s4 =	sshll.u32 s28, $0x1;
	[dreg:$0x2] =	wrdreg s2  }
0xa9: {  	[dreg:$0x3] =	wrdreg s4  }
0xaa: {  	[dreg:$0x4] =	wrdreg $0xC0  }
0xab: {  	_ =	task [dreg:s6], $0x5FFFF  }
0xac: {  	[dreg:$0x1] =	wrdreg $0xFFFFFFFF  }
0xad: {  	[dreg:$0x0] =	wrdreg $0x60  }
0xae: {  	[dreg:$0x2] =	wrdreg s24  }
0xaf: {  	[dreg:$0x3] =	wrdreg $0x9  }
0xb0: {  	_ =	task.clear_ibuf [dreg:s6], $0x4FFFF;
	_ =	strace $0x90000049  }
0xb1: {  	s29 =	simm.s32 $0x9;
	_ =	strace $0x8000004B  }
0xb2: {  	_ =	swait.ge [sflag:s29], $0x1  }
0xb3: {  	[sflag:s29] =	ssyncadd.s32 $0xFFFFFFFF  }
0xb4: {  	_ =	strace $0x9000004B  }
0xb5: {  	_ =	sfence  }
0xb6: {  	s30 =	sld [smem:$0x0];
	_ =	sdelay $0x2  }
0xb7: {  	s31 =	sshll.u32 s1, $0xD;
	s1 =	sshrl.u32 s1, $0x2  }
0xb8: {  	s3 =	sand.u32 $0x4000, s31;
	s1 =	sadd.s32 s1, s30  }
0xb9: {  	s0 =	sor.u32 s3, s0;
	s1 =	sshll.u32 s1, $0x11  }
0xba: {  	s0 =	sor.u32 s1, s0  }
0xbb: {  	s0 =	sadd.s32 $0x8F2B, s0  }
0xbc: {  	[sflag:s0] =	ssyncadd.remote.s32 $0x1  }
0xbd: {  	_ =	sfence.sel $0xFFFF  }
0xbe: {  	[dreg:$0x0] =	wrdreg $0xFFFFFFFF;
	(pc) =	sbr.abs _section_cstart, $3  }
0xbf: {  	[dreg:$0x1] =	wrdreg $0xFFFFFFFF  }
0xc0: {  	_ =	task.clear_ibuf [dreg:s6], $0x2FFFF;
	_ =	strace $0x9FFFFFFF  }
0xc1: {  	(tm) =	ssettm $0x7FFFFFFF  }
tec
execute0_lowered:
.L_overlay_start_1:
0x0: {  	(tag) =	ssettag $0x1  }
0x1: {  	s0 =	rddreg [dreg:$0x0]  }
0x2: {  	s1 =	srdreg.scid;
	s3 =	stileid.u32;
	s2 =	simm.s32 $0x0  }
0x3: {  	s20 =	simm.s32 $0x2;
	s28 =	simm.s32 $0x80;
	s22 =	simm.s32 $0x880  }
0x4: {  	s29 =	simm.s32 $0x2880;
	s30 =	simm.s32 $0x3080;
	s31 =	simm.s32 $0x3880  }
0x5: {  	s11 =	simm.s32 $0x5080;
	s12 =	simm.s32 $0x5880;
	s13 =	simm.s32 $0x6080  }
0x6: {  	s14 =	simm.s32 $0x6880;
	s15 =	simm.s32 $0x7080;
	s16 =	simm.s32 $0x7880  }
0x7: {  	s17 =	simm.s32 $0x8880;
	s18 =	simm.s32 $0x9080;
	s19 =	simm.s32 $0x9880  }
0x8: {  	s10 =	simm.s32 $0xB080;
	s1 =	sand.u32 $0x1, s1;
	s3 =	sshll.u32 s3, $0x8  }
0x9: {  	[smem:$0x7FF] =	sst s2;
	s7 =	sadd.s32 $0x100500, s0;
	s4 =	sshll.u32 s1, $0x7  }
0xa: {  	_ =	strace $0x8000004A;
	s1 =	ssub.s32 $0x2, s1;
	s4 =	sor.u32 s4, s3  }
0xb: {  	s3 =	sadd.s32 $0x100200, s0;
	s5 =	sshrl.u32 s4, $0x3;
	s4 =	sshll.u32 s4, $0x7  }
0xc: {  	s23 =	sshrl.u32 s1, $0x1;
	s5 =	sadd.s32 s5, s0;
	s6 =	sadd.s32 s0, s4  }
0xd: {  	s1 =	ssub.s32 s1, s23;
	s5 =	sadd.s32 $0x100000, s5;
	[dreg:$0x6] =	wrdreg s6  }
0xe: {  	s23 =	simm.s32 $0x1080;
	s24 =	sadd.s32 $0x1000, s6;
	[dreg:$0x2] =	wrdreg s5  }
0xf: {  	s8 =	smax.u32 s1, $0x1;
	s25 =	sadd.s32 $0x2000, s6;
	[dreg:$0x3] =	wrdreg s24  }
0x10: {  	v2 =	vlaneseq.u32;
	s4 =	simm.s32 $0x4080;
	s26 =	sadd.s32 $0x3000, s6;
	[dreg:$0x4] =	wrdreg s25  }
0x11: {  	vm0 =	vmmov $0xffff;
	v1 =	vshrl.u32 v2, $0x3;
	s6 =	sadd.s32 $0x100400, s0;
	s5 =	sadd.s32 $0x100300, s0;
	[dreg:$0x5] =	wrdreg s26  }
0x12: {  	v0 =	vand.u32 $0x7, v2;
	v2 =	vor.u32 $0x8, v2;
	v1 =	vmul.u32 $0x8, v1;
	s26 =	simm.s32 $0x1;
	s24 =	simm.s32 $0x1880;
	s25 =	simm.s32 $0x2080  }
.LBB2_1:
0x13: {  	s21 =	rddreg [dreg:$0x2];
	s0 =	simm.s32 $0x3  }
0x14: {  	[tilespmem:s2], [sflag:$0x3] =	stream.linear.gather [hbm4b:s21+s2], $0x80, $0x38;
	[tilespmem:$0x10080] =	vst v63  }
0x15: {  	_ =	swait.ge [sflag:s0], $0x80  }
0x16: {  	[sflag:s0] =	ssyncset.done $0x0  }
0x17: {  	[sflag:s0] =	ssyncadd.s32 $0xFFFFFF80  }
0x18: {  	v3 =	vld [tilespmem:$0x0];
	_ =	sdelay $0x4  }
0x19: {  	v4 =	vshll.u32 v3, $0x3  }
0x1a: {  	v3 =	vand.u32 $0x7, v3;
	v4 =	vand.u32 $0xFFFFFFC0, v4  }
0x1b: {  	v3 =	vor.u32 v3, v4  }
0x1c: {  	v4 =	vperm.xlane v3, v0;
	_ =	sdelay $0x1  }
0x1d: {  	v4 =	vadd.s32 v1, v4;
	_ =	sdelay $0x4  }
0x1e: {  	[tilespmem:s28], [sflag:$0x1] =	stream.indirect_vreg.gather [hbm4b:s3+s2], $0x80, v4, vm0, $0xb8;
	[tilespmem:$0x10080] =	vst v63  }
0x1f: {  	v3 =	vperm.xlane v3, v2  }
0x20: {  	[tilespmem:s22], [sflag:$0x1] =	stream.indirect_vreg.gather [hbm4b:s5+s2], $0x80, v4, vm0, $0xb8;
	[tilespmem:$0x10080] =	vst v63  }
0x21: {  	v3 =	vadd.s32 v1, v3  }
0x22: {  	[tilespmem:s23], [sflag:$0x1] =	stream.indirect_vreg.gather [hbm4b:s6+s2], $0x80, v4, vm0, $0xb8;
	[tilespmem:$0x10080] =	vst v63  }
0x23: {  	_ = 	snop  }
0x24: {  	[tilespmem:s24], [sflag:$0x1] =	stream.indirect_vreg.gather [hbm4b:s7+s2], $0x80, v4, vm0, $0xb8;
	[tilespmem:$0x10080] =	vst v63  }
0x25: {  	_ = 	snop  }
0x26: {  	[tilespmem:s25], [sflag:$0x1] =	stream.indirect_vreg.gather [hbm4b:s3+s2], $0x80, v3, vm0, $0xb8;
	[tilespmem:$0x10080] =	vst v63  }
0x27: {  	_ = 	snop  }
0x28: {  	[tilespmem:s29], [sflag:$0x1] =	stream.indirect_vreg.gather [hbm4b:s5+s2], $0x80, v3, vm0, $0xb8;
	[tilespmem:$0x10080] =	vst v63  }
0x29: {  	_ = 	snop  }
0x2a: {  	[tilespmem:s30], [sflag:$0x1] =	stream.indirect_vreg.gather [hbm4b:s6+s2], $0x80, v3, vm0, $0xb8;
	[tilespmem:$0x10080] =	vst v63  }
0x2b: {  	_ = 	snop  }
0x2c: {  	[tilespmem:s31], [sflag:$0x1] =	stream.indirect_vreg.gather [hbm4b:s7+s2], $0x80, v3, vm0, $0xb8;
	[tilespmem:$0x10080] =	vst v63  }
0x2d: {  	v3 =	vld [tilespmem:$0x10];
	_ =	sdelay $0x4  }
0x2e: {  	v57 =	vshll.u32 v3, $0x3  }
0x2f: {  	v3 =	vand.u32 $0x7, v3;
	v4 =	vand.u32 $0xFFFFFFC0, v57  }
0x30: {  	v3 =	vor.u32 v3, v4  }
0x31: {  	v4 =	vperm.xlane v3, v0;
	_ =	sdelay $0x1  }
0x32: {  	v4 =	vadd.s32 v1, v4;
	_ =	sdelay $0x4  }
0x33: {  	[tilespmem:s4], [sflag:$0x1] =	stream.indirect_vreg.gather [hbm4b:s3+s2], $0x80, v4, vm0, $0xb8;
	[tilespmem:$0x10080] =	vst v63  }
0x34: {  	s1 =	simm.s32 $0x4880;
	v3 =	vperm.xlane v3, v2  }
0x35: {  	[tilespmem:s1], [sflag:$0x1] =	stream.indirect_vreg.gather [hbm4b:s5+s2], $0x80, v4, vm0, $0xb8;
	[tilespmem:$0x10080] =	vst v63  }
0x36: {  	v3 =	vadd.s32 v1, v3  }
0x37: {  	[tilespmem:s11], [sflag:$0x1] =	stream.indirect_vreg.gather [hbm4b:s6+s2], $0x80, v4, vm0, $0xb8;
	[tilespmem:$0x10080] =	vst v63  }
0x38: {  	_ = 	snop  }
0x39: {  	[tilespmem:s12], [sflag:$0x1] =	stream.indirect_vreg.gather [hbm4b:s7+s2], $0x80, v4, vm0, $0xb8;
	[tilespmem:$0x10080] =	vst v63  }
0x3a: {  	_ = 	snop  }
0x3b: {  	[tilespmem:s13], [sflag:$0x1] =	stream.indirect_vreg.gather [hbm4b:s3+s2], $0x80, v3, vm0, $0xb8;
	[tilespmem:$0x10080] =	vst v63  }
0x3c: {  	_ = 	snop  }
0x3d: {  	[tilespmem:s14], [sflag:$0x1] =	stream.indirect_vreg.gather [hbm4b:s5+s2], $0x80, v3, vm0, $0xb8;
	[tilespmem:$0x10080] =	vst v63  }
0x3e: {  	_ = 	snop  }
0x3f: {  	[tilespmem:s15], [sflag:$0x1] =	stream.indirect_vreg.gather [hbm4b:s6+s2], $0x80, v3, vm0, $0xb8;
	[tilespmem:$0x10080] =	vst v63  }
0x40: {  	_ = 	snop  }
0x41: {  	[tilespmem:s16], [sflag:$0x1] =	stream.indirect_vreg.gather [hbm4b:s7+s2], $0x80, v3, vm0, $0xb8;
	[tilespmem:$0x10080] =	vst v63  }
0x42: {  	_ =	swait.ge [sflag:s26], $0x8000  }
0x43: {  	[sflag:s26] =	ssyncset.done $0x0  }
0x44: {  	s0 =	rddreg [dreg:$0x6];
	[sflag:s26] =	ssyncadd.s32 $0xFFFF8000  }
0x45: {  	[hbm4b:s0+s2] =	stream.linear.scatter [tilespmem:s28], [sflag:$0x2], $0x8000, $0x38;
	[tilespmem:$0x10080] =	vst v63  }
0x46: {  	v3 =	vld [tilespmem:$0x20];
	_ =	sdelay $0x4  }
0x47: {  	v58 =	vshll.u32 v3, $0x3  }
0x48: {  	v3 =	vand.u32 $0x7, v3;
	v4 =	vand.u32 $0xFFFFFFC0, v58  }
0x49: {  	v3 =	vor.u32 v3, v4  }
0x4a: {  	v4 =	vperm.xlane v3, v0;
	_ =	sdelay $0x1  }
0x4b: {  	v4 =	vadd.s32 v1, v4;
	_ =	sdelay $0x3  }
0x4c: {  	s0 =	simm.s32 $0x8080  }
0x4d: {  	[tilespmem:s0], [sflag:$0x1] =	stream.indirect_vreg.gather [hbm4b:s3+s2], $0x80, v4, vm0, $0xb8;
	[tilespmem:$0x10080] =	vst v63  }
0x4e: {  	v3 =	vperm.xlane v3, v2  }
0x4f: {  	[tilespmem:s17], [sflag:$0x1] =	stream.indirect_vreg.gather [hbm4b:s5+s2], $0x80, v4, vm0, $0xb8;
	[tilespmem:$0x10080] =	vst v63  }
0x50: {  	v3 =	vadd.s32 v1, v3  }
0x51: {  	[tilespmem:s18], [sflag:$0x1] =	stream.indirect_vreg.gather [hbm4b:s6+s2], $0x80, v4, vm0, $0xb8;
	[tilespmem:$0x10080] =	vst v63  }
0x52: {  	_ = 	snop  }
0x53: {  	[tilespmem:s19], [sflag:$0x1] =	stream.indirect_vreg.gather [hbm4b:s7+s2], $0x80, v4, vm0, $0xb8;
	[tilespmem:$0x10080] =	vst v63  }
0x54: {  	s9 =	simm.s32 $0xA080  }
0x55: {  	[tilespmem:s9], [sflag:$0x1] =	stream.indirect_vreg.gather [hbm4b:s3+s2], $0x80, v3, vm0, $0xb8;
	[tilespmem:$0x10080] =	vst v63  }
0x56: {  	s9 =	simm.s32 $0xA880  }
0x57: {  	[tilespmem:s9], [sflag:$0x1] =	stream.indirect_vreg.gather [hbm4b:s5+s2], $0x80, v3, vm0, $0xb8;
	[tilespmem:$0x10080] =	vst v63  }
0x58: {  	_ = 	snop  }
0x59: {  	[tilespmem:s10], [sflag:$0x1] =	stream.indirect_vreg.gather [hbm4b:s6+s2], $0x80, v3, vm0, $0xb8;
	[tilespmem:$0x10080] =	vst v63  }
0x5a: {  	s21 =	simm.s32 $0xB880  }
0x5b: {  	[tilespmem:s21], [sflag:$0x1] =	stream.indirect_vreg.gather [hbm4b:s7+s2], $0x80, v3, vm0, $0xb8;
	[tilespmem:$0x10080] =	vst v63  }
0x5c: {  	v3 =	vld [tilespmem:$0x30];
	_ =	sdelay $0x4  }
0x5d: {  	v59 =	vshll.u32 v3, $0x3  }
0x5e: {  	v3 =	vand.u32 $0x7, v3;
	v4 =	vand.u32 $0xFFFFFFC0, v59  }
0x5f: {  	v3 =	vor.u32 v3, v4  }
0x60: {  	v4 =	vperm.xlane v3, v0;
	_ =	sdelay $0x1  }
0x61: {  	v4 =	vadd.s32 v1, v4;
	_ =	sdelay $0x3  }
0x62: {  	s21 =	simm.s32 $0xC080  }
0x63: {  	[tilespmem:s21], [sflag:$0x1] =	stream.indirect_vreg.gather [hbm4b:s3+s2], $0x80, v4, vm0, $0xb8;
	[tilespmem:$0x10080] =	vst v63  }
0x64: {  	v3 =	vperm.xlane v3, v2;
	s21 =	simm.s32 $0xC880  }
0x65: {  	[tilespmem:s21], [sflag:$0x1] =	stream.indirect_vreg.gather [hbm4b:s5+s2], $0x80, v4, vm0, $0xb8;
	[tilespmem:$0x10080] =	vst v63  }
0x66: {  	v3 =	vadd.s32 v1, v3;
	s21 =	simm.s32 $0xD080  }
0x67: {  	[tilespmem:s21], [sflag:$0x1] =	stream.indirect_vreg.gather [hbm4b:s6+s2], $0x80, v4, vm0, $0xb8;
	[tilespmem:$0x10080] =	vst v63  }
0x68: {  	s21 =	simm.s32 $0xD880  }
0x69: {  	[tilespmem:s21], [sflag:$0x1] =	stream.indirect_vreg.gather [hbm4b:s7+s2], $0x80, v4, vm0, $0xb8;
	[tilespmem:$0x10080] =	vst v63  }
0x6a: {  	s21 =	simm.s32 $0xE080  }
0x6b: {  	[tilespmem:s21], [sflag:$0x1] =	stream.indirect_vreg.gather [hbm4b:s3+s2], $0x80, v3, vm0, $0xb8;
	[tilespmem:$0x10080] =	vst v63  }
0x6c: {  	s21 =	simm.s32 $0xE880  }
0x6d: {  	[tilespmem:s21], [sflag:$0x1] =	stream.indirect_vreg.gather [hbm4b:s5+s2], $0x80, v3, vm0, $0xb8;
	[tilespmem:$0x10080] =	vst v63  }
0x6e: {  	s21 =	simm.s32 $0xF080  }
0x6f: {  	[tilespmem:s21], [sflag:$0x1] =	stream.indirect_vreg.gather [hbm4b:s6+s2], $0x80, v3, vm0, $0xb8;
	[tilespmem:$0x10080] =	vst v63  }
0x70: {  	s21 =	simm.s32 $0xF880  }
0x71: {  	[tilespmem:s21], [sflag:$0x1] =	stream.indirect_vreg.gather [hbm4b:s7+s2], $0x80, v3, vm0, $0xb8;
	[tilespmem:$0x10080] =	vst v63  }
0x72: {  	_ =	swait.ge [sflag:s26], $0x8000  }
0x73: {  	[sflag:s26] =	ssyncset.done $0x0  }
0x74: {  	s21 =	rddreg [dreg:$0x3];
	[sflag:s26] =	ssyncadd.s32 $0xFFFF8000  }
0x75: {  	[hbm4b:s21+s2] =	stream.linear.scatter [tilespmem:s0], [sflag:$0x2], $0x8000, $0x38;
	[tilespmem:$0x10080] =	vst v63  }
0x76: {  	_ =	swait.ge [sflag:s20], $0x8000  }
0x77: {  	[sflag:s20] =	ssyncset.done $0x0  }
0x78: {  	[sflag:s20] =	ssyncadd.s32 $0xFFFF8000  }
0x79: {  	v3 =	vld [tilespmem:$0x40];
	_ =	sdelay $0x4  }
0x7a: {  	v60 =	vshll.u32 v3, $0x3  }
0x7b: {  	v3 =	vand.u32 $0x7, v3;
	v4 =	vand.u32 $0xFFFFFFC0, v60  }
0x7c: {  	v3 =	vor.u32 v3, v4  }
0x7d: {  	v4 =	vperm.xlane v3, v0;
	_ =	sdelay $0x1  }
0x7e: {  	v4 =	vadd.s32 v1, v4;
	_ =	sdelay $0x4  }
0x7f: {  	[tilespmem:s28], [sflag:$0x1] =	stream.indirect_vreg.gather [hbm4b:s3+s2], $0x80, v4, vm0, $0xb8;
	[tilespmem:$0x10080] =	vst v63  }
0x80: {  	v3 =	vperm.xlane v3, v2  }
0x81: {  	[tilespmem:s22], [sflag:$0x1] =	stream.indirect_vreg.gather [hbm4b:s5+s2], $0x80, v4, vm0, $0xb8;
	[tilespmem:$0x10080] =	vst v63  }
0x82: {  	v3 =	vadd.s32 v1, v3  }
0x83: {  	[tilespmem:s23], [sflag:$0x1] =	stream.indirect_vreg.gather [hbm4b:s6+s2], $0x80, v4, vm0, $0xb8;
	[tilespmem:$0x10080] =	vst v63  }
0x84: {  	_ = 	snop  }
0x85: {  	[tilespmem:s24], [sflag:$0x1] =	stream.indirect_vreg.gather [hbm4b:s7+s2], $0x80, v4, vm0, $0xb8;
	[tilespmem:$0x10080] =	vst v63  }
0x86: {  	_ = 	snop  }
0x87: {  	[tilespmem:s25], [sflag:$0x1] =	stream.indirect_vreg.gather [hbm4b:s3+s2], $0x80, v3, vm0, $0xb8;
	[tilespmem:$0x10080] =	vst v63  }
0x88: {  	_ = 	snop  }
0x89: {  	[tilespmem:s29], [sflag:$0x1] =	stream.indirect_vreg.gather [hbm4b:s5+s2], $0x80, v3, vm0, $0xb8;
	[tilespmem:$0x10080] =	vst v63  }
0x8a: {  	_ = 	snop  }
0x8b: {  	[tilespmem:s30], [sflag:$0x1] =	stream.indirect_vreg.gather [hbm4b:s6+s2], $0x80, v3, vm0, $0xb8;
	[tilespmem:$0x10080] =	vst v63  }
0x8c: {  	_ = 	snop  }
0x8d: {  	[tilespmem:s31], [sflag:$0x1] =	stream.indirect_vreg.gather [hbm4b:s7+s2], $0x80, v3, vm0, $0xb8;
	[tilespmem:$0x10080] =	vst v63  }
0x8e: {  	v3 =	vld [tilespmem:$0x50];
	_ =	sdelay $0x4  }
0x8f: {  	v61 =	vshll.u32 v3, $0x3  }
0x90: {  	v3 =	vand.u32 $0x7, v3;
	v4 =	vand.u32 $0xFFFFFFC0, v61  }
0x91: {  	v3 =	vor.u32 v3, v4  }
0x92: {  	v4 =	vperm.xlane v3, v0;
	_ =	sdelay $0x1  }
0x93: {  	v4 =	vadd.s32 v1, v4;
	_ =	sdelay $0x4  }
0x94: {  	[tilespmem:s4], [sflag:$0x1] =	stream.indirect_vreg.gather [hbm4b:s3+s2], $0x80, v4, vm0, $0xb8;
	[tilespmem:$0x10080] =	vst v63  }
0x95: {  	v3 =	vperm.xlane v3, v2  }
0x96: {  	[tilespmem:s1], [sflag:$0x1] =	stream.indirect_vreg.gather [hbm4b:s5+s2], $0x80, v4, vm0, $0xb8;
	[tilespmem:$0x10080] =	vst v63  }
0x97: {  	v3 =	vadd.s32 v1, v3  }
0x98: {  	[tilespmem:s11], [sflag:$0x1] =	stream.indirect_vreg.gather [hbm4b:s6+s2], $0x80, v4, vm0, $0xb8;
	[tilespmem:$0x10080] =	vst v63  }
0x99: {  	_ = 	snop  }
0x9a: {  	[tilespmem:s12], [sflag:$0x1] =	stream.indirect_vreg.gather [hbm4b:s7+s2], $0x80, v4, vm0, $0xb8;
	[tilespmem:$0x10080] =	vst v63  }
0x9b: {  	_ = 	snop  }
0x9c: {  	[tilespmem:s13], [sflag:$0x1] =	stream.indirect_vreg.gather [hbm4b:s3+s2], $0x80, v3, vm0, $0xb8;
	[tilespmem:$0x10080] =	vst v63  }
0x9d: {  	_ = 	snop  }
0x9e: {  	[tilespmem:s14], [sflag:$0x1] =	stream.indirect_vreg.gather [hbm4b:s5+s2], $0x80, v3, vm0, $0xb8;
	[tilespmem:$0x10080] =	vst v63  }
0x9f: {  	_ = 	snop  }
0xa0: {  	[tilespmem:s15], [sflag:$0x1] =	stream.indirect_vreg.gather [hbm4b:s6+s2], $0x80, v3, vm0, $0xb8;
	[tilespmem:$0x10080] =	vst v63  }
0xa1: {  	_ = 	snop  }
0xa2: {  	[tilespmem:s16], [sflag:$0x1] =	stream.indirect_vreg.gather [hbm4b:s7+s2], $0x80, v3, vm0, $0xb8;
	[tilespmem:$0x10080] =	vst v63  }
0xa3: {  	_ =	swait.ge [sflag:s26], $0x8000  }
0xa4: {  	[sflag:s26] =	ssyncset.done $0x0  }
0xa5: {  	s1 =	rddreg [dreg:$0x4];
	[sflag:s26] =	ssyncadd.s32 $0xFFFF8000  }
0xa6: {  	[hbm4b:s1+s2] =	stream.linear.scatter [tilespmem:s28], [sflag:$0x2], $0x8000, $0x38;
	[tilespmem:$0x10080] =	vst v63  }
0xa7: {  	_ =	swait.ge [sflag:s20], $0x8000  }
0xa8: {  	[sflag:s20] =	ssyncset.done $0x0  }
0xa9: {  	[sflag:s20] =	ssyncadd.s32 $0xFFFF8000  }
0xaa: {  	v3 =	vld [tilespmem:$0x60];
	_ =	sdelay $0x4  }
0xab: {  	v62 =	vshll.u32 v3, $0x3  }
0xac: {  	v3 =	vand.u32 $0x7, v3;
	v4 =	vand.u32 $0xFFFFFFC0, v62  }
0xad: {  	v3 =	vor.u32 v3, v4  }
0xae: {  	v4 =	vperm.xlane v3, v0;
	_ =	sdelay $0x1  }
0xaf: {  	v4 =	vadd.s32 v1, v4;
	_ =	sdelay $0x4  }
0xb0: {  	[tilespmem:s0], [sflag:$0x1] =	stream.indirect_vreg.gather [hbm4b:s3+s2], $0x80, v4, vm0, $0xb8;
	[tilespmem:$0x10080] =	vst v63  }
0xb1: {  	v3 =	vperm.xlane v3, v2  }
0xb2: {  	[tilespmem:s17], [sflag:$0x1] =	stream.indirect_vreg.gather [hbm4b:s5+s2], $0x80, v4, vm0, $0xb8;
	[tilespmem:$0x10080] =	vst v63  }
0xb3: {  	v3 =	vadd.s32 v1, v3  }
0xb4: {  	[tilespmem:s18], [sflag:$0x1] =	stream.indirect_vreg.gather [hbm4b:s6+s2], $0x80, v4, vm0, $0xb8;
	[tilespmem:$0x10080] =	vst v63  }
0xb5: {  	_ = 	snop  }
0xb6: {  	[tilespmem:s19], [sflag:$0x1] =	stream.indirect_vreg.gather [hbm4b:s7+s2], $0x80, v4, vm0, $0xb8;
	[tilespmem:$0x10080] =	vst v63  }
0xb7: {  	s21 =	simm.s32 $0xA080  }
0xb8: {  	[tilespmem:s21], [sflag:$0x1] =	stream.indirect_vreg.gather [hbm4b:s3+s2], $0x80, v3, vm0, $0xb8;
	[tilespmem:$0x10080] =	vst v63  }
0xb9: {  	_ = 	snop  }
0xba: {  	[tilespmem:s9], [sflag:$0x1] =	stream.indirect_vreg.gather [hbm4b:s5+s2], $0x80, v3, vm0, $0xb8;
	[tilespmem:$0x10080] =	vst v63  }
0xbb: {  	_ = 	snop  }
0xbc: {  	[tilespmem:s10], [sflag:$0x1] =	stream.indirect_vreg.gather [hbm4b:s6+s2], $0x80, v3, vm0, $0xb8;
	[tilespmem:$0x10080] =	vst v63  }
0xbd: {  	s21 =	simm.s32 $0xB880  }
0xbe: {  	[tilespmem:s21], [sflag:$0x1] =	stream.indirect_vreg.gather [hbm4b:s7+s2], $0x80, v3, vm0, $0xb8;
	[tilespmem:$0x10080] =	vst v63  }
0xbf: {  	v3 =	vld [tilespmem:$0x70];
	_ =	sdelay $0x4  }
0xc0: {  	v63 =	vshll.u32 v3, $0x3  }
0xc1: {  	v3 =	vand.u32 $0x7, v3;
	v4 =	vand.u32 $0xFFFFFFC0, v63  }
0xc2: {  	v3 =	vor.u32 v3, v4  }
0xc3: {  	v4 =	vperm.xlane v3, v0;
	_ =	sdelay $0x1  }
0xc4: {  	v4 =	vadd.s32 v1, v4;
	_ =	sdelay $0x3  }
0xc5: {  	s9 =	simm.s32 $0xC080  }
0xc6: {  	[tilespmem:s9], [sflag:$0x1] =	stream.indirect_vreg.gather [hbm4b:s3+s2], $0x80, v4, vm0, $0xb8;
	[tilespmem:$0x10080] =	vst v63  }
0xc7: {  	s21 =	simm.s32 $0xC880;
	v3 =	vperm.xlane v3, v2  }
0xc8: {  	[tilespmem:s21], [sflag:$0x1] =	stream.indirect_vreg.gather [hbm4b:s5+s2], $0x80, v4, vm0, $0xb8;
	[tilespmem:$0x10080] =	vst v63  }
0xc9: {  	v3 =	vadd.s32 v1, v3;
	s9 =	simm.s32 $0xD080  }
0xca: {  	[tilespmem:s9], [sflag:$0x1] =	stream.indirect_vreg.gather [hbm4b:s6+s2], $0x80, v4, vm0, $0xb8;
	[tilespmem:$0x10080] =	vst v63  }
0xcb: {  	s21 =	simm.s32 $0xD880  }
0xcc: {  	[tilespmem:s21], [sflag:$0x1] =	stream.indirect_vreg.gather [hbm4b:s7+s2], $0x80, v4, vm0, $0xb8;
	[tilespmem:$0x10080] =	vst v63  }
0xcd: {  	s9 =	simm.s32 $0xE080  }
0xce: {  	[tilespmem:s9], [sflag:$0x1] =	stream.indirect_vreg.gather [hbm4b:s3+s2], $0x80, v3, vm0, $0xb8;
	[tilespmem:$0x10080] =	vst v63  }
0xcf: {  	s21 =	simm.s32 $0xE880  }
0xd0: {  	[tilespmem:s21], [sflag:$0x1] =	stream.indirect_vreg.gather [hbm4b:s5+s2], $0x80, v3, vm0, $0xb8;
	[tilespmem:$0x10080] =	vst v63  }
0xd1: {  	s9 =	simm.s32 $0xF080  }
0xd2: {  	[tilespmem:s9], [sflag:$0x1] =	stream.indirect_vreg.gather [hbm4b:s6+s2], $0x80, v3, vm0, $0xb8;
	[tilespmem:$0x10080] =	vst v63  }
0xd3: {  	s21 =	simm.s32 $0xF880  }
0xd4: {  	[tilespmem:s21], [sflag:$0x1] =	stream.indirect_vreg.gather [hbm4b:s7+s2], $0x80, v3, vm0, $0xb8;
	[tilespmem:$0x10080] =	vst v63  }
0xd5: {  	_ =	swait.ge [sflag:s26], $0x8000  }
0xd6: {  	[sflag:s26] =	ssyncset.done $0x0  }
0xd7: {  	s9 =	rddreg [dreg:$0x5];
	[sflag:s26] =	ssyncadd.s32 $0xFFFF8000  }
0xd8: {  	[hbm4b:s9+s2] =	stream.linear.scatter [tilespmem:s0], [sflag:$0x2], $0x8000, $0x38;
	[tilespmem:$0x10080] =	vst v63  }
0xd9: {  	p0 =	sne.s32 s8, $0x1;
	_ =	swait.ge [sflag:s20], $0x8000  }
.Ltmp0:
0xda: {  	[sflag:s20] =	ssyncset.done $0x0;
	(pc) =	sbr.rel @p0 .LBB2_1-.Ltmp0, $4  }
0xdb: {  	[sflag:s20] =	ssyncadd.s32 $0xFFFF8000  }
0xdc: {  	_ =	swait.ge [sflag:s20], $0x8000  }
0xdd: {  	[sflag:s20] =	ssyncset.done $0x0  }
0xde: {  	s8 =	sadd.s32 $0xFFFFFFFF, s8;
	[sflag:s20] =	ssyncadd.s32 $0xFFFF8000  }
0xdf: {  	_ =	sfence.sel $0x180000  }
0xe0: {  	[bflag:$0x0] =	sbarrier.arrive $0xFFFF  }
0xe1: {  	_ =	strace $0x9000004A  }
0xe2: {  	s0 =	stileid.u32;
	[bflag:$0x2] =	sbarrier.arrive $0xFFFF  }
0xe3: {  	p0 =	sne.s32 s0, $0x0;
	s0 =	rddreg [dreg:$0x1]  }
0xe4: {  	s0 =	sadd.s32 @!p0 $0x100000, s0  }
0xe5: {  	[sflag:s0] =	ssyncadd.tile.s32 @!p0 $0x1;
	_ =	shalt  }
.Lfunc_end2:
_tile_overlayer_lowered:
.L_overlay_start_2:
0xe6: {  	(tag) =	ssettag $0x2  }
0xe7: {  	s0 =	rddreg [dreg:$0x0];
	s2 =	stileid.u32  }
0xe8: {  	s1 =	rddreg [dreg:$0x1];
	p0 =	sne.s32 s2, $0x0  }
0xe9: {  	s3 =	rddreg [dreg:$0x2];
	[bflag:$0x3] =	sbarrier.arrive $0xFFFF;
	s2 =	simm.s32 @!p0 $0x1C03  }
0xea: {  	[timem:s3], [sflag:s2] =	dma.local @!p0 [hbm:s0], s1  }
0xeb: {  	s0 =	simm.s32 @!p0 $0x3  }
0xec: {  	_ =	swait.ge @!p0 [sflag:s0], s1  }
0xed: {  	s1 =	ssub.s32 @!p0 $0x0, s1;
	[sflag:s0] =	ssyncset.done @!p0 $0x0  }
0xee: {  	[sflag:s0] =	ssyncadd.s32 @!p0 s1  }
0xef: {  	[bflag:$0x3] =	sbarrier.arrive $0xFFFF  }
0xf0: {  	_ =	shalt  }

// kernel: kernel.7.cloned.1.call-start
scs
__scs_entry_jumppad:
0x0: {  	(pc) =	sbr.rel $0x88, $3  }
0x1: {  	(tag) =	ssettag $0x0;
	lr =	simm.s32 $0x1  }
0x2: {  	[smem:$0x3F99] =	sst lr;
	_ =	strace $0xD0000000  }
0x3: {  	_ = 	snop  }
0x4: {  	_ = 	snop  }
0x5: {  	_ = 	snop  }
0x6: {  	_ = 	snop  }
0x7: {  	_ = 	snop  }
__scs_overlays_trampoline_lowered:
0x8: {  	[smem:$0x3FA8] =	sst s0  }
0x9: {  	[smem:$0x3FA9] =	sst s1  }
0xa: {  	[smem:$0x3FAA] =	sst s2  }
0xb: {  	[smem:$0x3FAB] =	sst s3  }
0xc: {  	[smem:$0x3FAC] =	sst s4  }
0xd: {  	[smem:$0x3FAD] =	sst s5  }
0xe: {  	[smem:$0x3FAE] =	sst s6  }
0xf: {  	[smem:$0x3FAF] =	sst s7  }
0x10: {  	[smem:$0x3FB0] =	sst s8  }
0x11: {  	[smem:$0x3FB1] =	sst s9;
	s0 =	simm.s32 @!p0 $0x0  }
0x12: {  	s1 =	sld [smem:$0x3F97];
	s0 =	simm.s32 @p0 $0x1  }
0x13: {  	[smem:$0x3FB2] =	sst s0;
	s0 =	simm.s32 @!p1 $0x0  }
0x14: {  	s2 =	sld [smem:$0x3F96];
	s0 =	simm.s32 @p1 $0x1  }
0x15: {  	[smem:$0x3FB3] =	sst s0;
	s0 =	simm.s32 @!p2 $0x0  }
0x16: {  	s3 =	sld [smem:$0x3FDB];
	s0 =	simm.s32 @p2 $0x1  }
0x17: {  	s4 =	simm.s32 $0x1BF5;
	[smem:$0x3FB5] =	sst s0  }
0x18: {  	s0 =	sld [smem:$0x3F98];
	_ =	swait.ge [sflag:s4], $0x0  }
0x19: {  	s7 =	sld [smem:$0x3F99]  }
0x1a: {  	s8 =	sadd.s32 $0xFFFFE003, lr  }
0x1b: {  	s9 =	sadd.s32 $0xFFFFFEF7, lr;
	s5 =	simm.s32 $0xFFFFFFFF;
	p2 =	slt.u32 s8, $0xFFFFF086  }
0x1c: {  	p1 =	slt.u32 s9, $0xF7A;
	s5 =	simm.s32 @!p2 $0x0  }
0x1d: {  	s5 =	simm.s32 @p1 $0x1;
	p0 =	seq.s32 s7, s2  }
0x1e: {  	s7 =	smul.u32 @!p0 $0xF7A, s2;
	p2 =	seq.s32 @!p0 s5, $0x0  }
0x1f: {  	s9 =	smul.u32 $0xF7A, s1;
	s8 =	simm.s32 @!p0 $0x1BF5;
	p2 =	por !p2, p0  }
0x20: {  	[sflag:s8] =	ssyncset.s32 @!p0 $0xFFFFF086;
	s6 =	sadd.s32 @!p0 s3, s7;
	s7 =	simm.s32 @!p0 $0x108  }
0x21: {  	s3 =	sadd.s32 s3, s9;
	s6 =	sadd.s32 @!p0 $0x88, s6;
	s7 =	simm.s32 @p2 $0x1082  }
0x22: {  	[simem:s7], [sflag:s8] =	dma.local @!p0 [hbm:s6], $0xF7A  }
0x23: {  	s9 =	sor.u32 $0xD0000000, s2;
	s6 =	simm.s32 $0x108;
	_ =	swait.ge @!p0 [sflag:s8], $0x0  }
0x24: {  	s3 =	sadd.s32 $0x88, s3;
	s6 =	simm.s32 @!p1 $0x1082;
	[sflag:s4] =	ssyncset.s32 $0xFFFFF086  }
0x25: {  	[simem:s6], [sflag:s4] =	dma.local [hbm:s3], $0xF7A  }
0x26: {  	[smem:$0x3F99] =	sst s1;
	(tag) =	ssettag s2;
	_ =	strace s9  }
0x27: {  	s1 =	sld [smem:$0x3FA9]  }
0x28: {  	s2 =	sld [smem:$0x3FAA]  }
0x29: {  	s4 =	sld [smem:$0x3FAC]  }
0x2a: {  	p0 =	seq.s32 s5, $0x0;
	s5 =	sld [smem:$0x3FAD]  }
0x2b: {  	s6 =	sld [smem:$0x3FAE]  }
0x2c: {  	s7 =	sld [smem:$0x3FAF]  }
0x2d: {  	s3 =	simm.s32 $0x108;
	s8 =	sld [smem:$0x3FB0]  }
0x2e: {  	s3 =	simm.s32 @!p0 $0x1082;
	s9 =	sld [smem:$0x3FB1]  }
0x2f: {  	lr =	sadd.s32 s0, s3;
	s0 =	sld [smem:$0x3FA8]  }
0x30: {  	s3 =	sld [smem:$0x3FAB]  }
0x31: {  	[smem:$0x3FB4] =	sst s10  }
0x32: {  	s10 =	sld [smem:$0x3FB2];
	_ =	sdelay $0x3  }
0x33: {  	p0 =	seq.s32 s10, $0x1;
	s10 =	sld [smem:$0x3FB4];
	_ =	sdelay $0x3  }
0x34: {  	[smem:$0x3FB4] =	sst s10  }
0x35: {  	s10 =	sld [smem:$0x3FB3];
	_ =	sdelay $0x3  }
0x36: {  	p1 =	seq.s32 s10, $0x1;
	s10 =	sld [smem:$0x3FB4];
	_ =	sdelay $0x3  }
0x37: {  	[smem:$0x3FB4] =	sst s10  }
0x38: {  	s10 =	sld [smem:$0x3FB5]  }
0x39: {  	_ = 	snop;
	(pc) =	sbr.ind lr, $3  }
0x3a: {  	_ = 	snop  }
0x3b: {  	_ = 	snop  }
0x3c: {  	p2 =	seq.s32 s10, $0x1;
	s10 =	sld [smem:$0x3FB4]  }
0x3d: {  	_ =	shalt  }
0x3e: {  	_ =	shalt  }
0x3f: {  	_ =	shalt  }
0x40: {  	_ =	shalt  }
0x41: {  	_ =	shalt  }
0x42: {  	_ =	shalt  }
0x43: {  	_ =	shalt  }
0x44: {  	_ =	shalt  }
0x45: {  	_ =	shalt  }
0x46: {  	_ =	shalt  }
0x47: {  	_ =	shalt  }
0x48: {  	_ =	shalt  }
0x49: {  	_ =	shalt  }
0x4a: {  	_ =	shalt  }
0x4b: {  	_ =	shalt  }
0x4c: {  	_ =	shalt  }
0x4d: {  	_ =	shalt  }
0x4e: {  	_ =	shalt  }
0x4f: {  	_ =	shalt  }
0x50: {  	_ =	shalt  }
0x51: {  	_ =	shalt  }
0x52: {  	_ =	shalt  }
0x53: {  	_ =	shalt  }
0x54: {  	_ =	shalt  }
0x55: {  	_ =	shalt  }
0x56: {  	_ =	shalt  }
0x57: {  	_ =	shalt  }
0x58: {  	_ =	shalt  }
0x59: {  	_ =	shalt  }
0x5a: {  	_ =	shalt  }
0x5b: {  	_ =	shalt  }
0x5c: {  	_ =	shalt  }
0x5d: {  	_ =	shalt  }
0x5e: {  	_ =	shalt  }
0x5f: {  	_ =	shalt  }
0x60: {  	_ =	shalt  }
0x61: {  	_ =	shalt  }
0x62: {  	_ =	shalt  }
0x63: {  	_ =	shalt  }
0x64: {  	_ =	shalt  }
0x65: {  	_ =	shalt  }
0x66: {  	_ =	shalt  }
0x67: {  	_ =	shalt  }
0x68: {  	_ =	shalt  }
0x69: {  	_ =	shalt  }
0x6a: {  	_ =	shalt  }
0x6b: {  	_ =	shalt  }
0x6c: {  	_ =	shalt  }
0x6d: {  	_ =	shalt  }
0x6e: {  	_ =	shalt  }
0x6f: {  	_ =	shalt  }
0x70: {  	_ =	shalt  }
0x71: {  	_ =	shalt  }
0x72: {  	_ =	shalt  }
0x73: {  	_ =	shalt  }
0x74: {  	_ =	shalt  }
0x75: {  	_ =	shalt  }
0x76: {  	_ =	shalt  }
0x77: {  	_ =	shalt  }
0x78: {  	_ =	shalt  }
0x79: {  	_ =	shalt  }
0x7a: {  	_ =	shalt  }
0x7b: {  	_ =	shalt  }
0x7c: {  	_ =	shalt  }
0x7d: {  	_ =	shalt  }
0x7e: {  	_ =	shalt  }
0x7f: {  	_ =	shalt  }
0x80: {  	_ =	shalt  }
0x81: {  	_ =	shalt  }
0x82: {  	_ =	shalt  }
0x83: {  	_ =	shalt  }
0x84: {  	_ =	shalt  }
0x85: {  	_ =	shalt  }
0x86: {  	_ =	shalt  }
0x87: {  	_ =	shalt  }
.Lfunc_end0:
.L_simem_size_0:
called_computation_lowered:
.L_overlay_start_0:
0x88: {  	s2 =	sld [smem:$0x3FD9]  }
0x89: {  	s3 =	sld [smem:$0x3FFE];
	_ =	sdelay $0x1  }
0x8a: {  	s1 =	srdreg.scid  }
0x8b: {  	s0 =	sand.u32 $0x1, s1  }
0x8c: {  	s17 =	sshll.u32 s0, $0xA;
	s2 =	sadd.s32 s3, s2  }
0x8d: {  	s2 =	sadd.s32 s2, s17  }
0x8e: {  	[smem:$0x3FC0] =	sst s2  }
0x8f: {  	_ = 	snop  }
0x90: {  	s2 =	sld [smem:$0x3FC9]  }
0x91: {  	s18 =	sld [smem:$0x3FD0];
	(tm) =	ssettm $0x1  }
0x92: {  	s4 =	sld [smem:$0x3FFB];
	_ =	sdelay $0x3  }
0x93: {  	_ =	strace s4  }
0x94: {  	s4 =	sld [smem:$0x3FFC];
	_ =	sdelay $0x3  }
0x95: {  	_ =	strace s4  }
0x96: {  	s4 =	sld [smem:$0x3FFD];
	_ =	sdelay $0x3  }
0x97: {  	_ =	strace s4  }
0x98: {  	_ =	strace $0x8FFFFFFF  }
0x99: {  	s19 =	sld [smem:$0x3FDB];
	_ =	sdelay $0x1  }
0x9a: {  	s5 =	simm.s32 $_scs_section_size  }
0x9b: {  	s6 =	simm.s32 $_size__tile_overlayer_lowered;
	s7 =	simm.s32 $_tile_overlayer_lowered  }
0x9c: {  	s22 =	simm.s32 $0x1BFF;
	s21 =	sshll.u32 s7, $0x1;
	s4 =	sadd.s32 s5, s19  }
0x9d: {  	s8 =	simm.s32 $0x0;
	s20 =	sshll.u32 s6, $0x1;
	s6 =	sadd.s32 s21, s4  }
0x9e: {  	[timem:s8], [sflag:s22] =	dma.local [hbm:s6], s20  }
0x9f: {  	_ =	swait.ge [sflag:s22], s20  }
0xa0: {  	s5 =	ssub.s32 $0x0, s20;
	[sflag:s22] =	ssyncset.done $0x0  }
0xa1: {  	[sflag:s22] =	ssyncadd.s32 s5;
	_ =	sdelay $0x1  }
0xa2: {  	s23 =	simm.s32 $0x1B8B  }
0xa3: {  	_ =	swait.ge [sflag:s23], $0x1  }
0xa4: {  	[sflag:s23] =	ssyncset.done $0x0  }
0xa5: {  	s25 =	simm.s32 $0x1B8E;
	s24 =	sld [smem:$0x3FFE];
	[sflag:s23] =	ssyncadd.s32 $0xFFFFFFFF  }
0xa6: {  	s26 =	simm.s32 $execute0_lowered;
	[smem:$0x3FD2] =	sst s25  }
0xa7: {  	s6 =	sshll.u32 s26, $0x1;
	_ =	strace $0x80000046;
	[dreg:$0x1] =	wrdreg $0xFFFFFFFF  }
0xa8: {  	s28 =	simm.s32 $_size_execute0_lowered;
	s4 =	sadd.s32 s4, s6;
	[dreg:$0x0] =	wrdreg $0x0  }
0xa9: {  	s6 =	sshll.u32 s28, $0x1;
	[dreg:$0x2] =	wrdreg s4  }
0xaa: {  	[dreg:$0x3] =	wrdreg s6  }
0xab: {  	[dreg:$0x4] =	wrdreg $0xC0  }
0xac: {  	_ =	task [dreg:s8], $0x5FFFF  }
0xad: {  	[dreg:$0x1] =	wrdreg $0xFFFFFFFF  }
0xae: {  	[dreg:$0x0] =	wrdreg $0x60  }
0xaf: {  	[dreg:$0x2] =	wrdreg s2  }
0xb0: {  	[dreg:$0x3] =	wrdreg s18  }
0xb1: {  	[dreg:$0x4] =	wrdreg s24  }
0xb2: {  	[dreg:$0x5] =	wrdreg $0x9  }
0xb3: {  	_ =	task.clear_ibuf [dreg:s8], $0x6FFFF;
	_ =	strace $0x90000046  }
0xb4: {  	s29 =	simm.s32 $0x9;
	_ =	strace $0x80000048  }
0xb5: {  	_ =	swait.ge [sflag:s29], $0x1  }
0xb6: {  	[sflag:s29] =	ssyncadd.s32 $0xFFFFFFFF  }
0xb7: {  	_ =	strace $0x90000048  }
0xb8: {  	_ =	sfence  }
0xb9: {  	s30 =	sld [smem:$0x0];
	_ =	sdelay $0x2  }
0xba: {  	s31 =	sshll.u32 s1, $0xD;
	s1 =	sshrl.u32 s1, $0x2  }
0xbb: {  	s3 =	sand.u32 $0x4000, s31;
	s1 =	sadd.s32 s1, s30  }
0xbc: {  	s0 =	sor.u32 s3, s0;
	s1 =	sshll.u32 s1, $0x11  }
0xbd: {  	s0 =	sor.u32 s1, s0  }
0xbe: {  	s0 =	sadd.s32 $0x8F2B, s0  }
0xbf: {  	[sflag:s0] =	ssyncadd.remote.s32 $0x1  }
0xc0: {  	_ =	sfence.sel $0xFFFF  }
0xc1: {  	[dreg:$0x0] =	wrdreg $0xFFFFFFFF;
	(pc) =	sbr.abs _section_cstart, $3  }
0xc2: {  	[dreg:$0x1] =	wrdreg $0xFFFFFFFF  }
0xc3: {  	_ =	task.clear_ibuf [dreg:s8], $0x2FFFF;
	_ =	strace $0x9FFFFFFF  }
0xc4: {  	(tm) =	ssettm $0x7FFFFFFF  }
0xc5: {  	_ =	shalt  }
tec
execute0_lowered:
.L_overlay_start_1:
0x0: {  	(tag) =	ssettag $0x1  }
0x1: {  	s0 =	srdreg.scid  }
0x2: {  	s1 =	rddreg [dreg:$0x0];
	s3 =	stileid.u32;
	s0 =	sand.u32 $0x1, s0  }
0x3: {  	s2 =	rddreg [dreg:$0x1];
	s5 =	sshll.u32 s3, $0x9;
	s6 =	sshll.u32 s0, $0x8  }
0x4: {  	s4 =	rddreg [dreg:$0x2];
	s28 =	simm.s32 $0x8100;
	s5 =	sor.u32 s6, s5  }
0x5: {  	s19 =	simm.s32 $0x2;
	s3 =	simm.s32 $0x0;
	s6 =	sshrl.u32 s5, $0x3  }
0x6: {  	[smem:$0x7FF] =	sst s3;
	s5 =	sshll.u32 s5, $0x7;
	s2 =	sadd.s32 s2, s6  }
0x7: {  	_ =	strace $0x80000047;
	s21 =	sadd.s32 s4, s5;
	[dreg:$0x4] =	wrdreg s2  }
0x8: {  	s7 =	sadd.s32 $0x300, s1;
	s22 =	sadd.s32 $0x1000, s21;
	[dreg:$0xc] =	wrdreg s21  }
0x9: {  	s0 =	ssub.s32 $0x2, s0;
	s23 =	sadd.s32 $0x2000, s21;
	[dreg:$0x5] =	wrdreg s22  }
0xa: {  	s26 =	sshrl.u32 s0, $0x1;
	s24 =	sadd.s32 $0x3000, s21;
	[dreg:$0x6] =	wrdreg s23  }
0xb: {  	s0 =	ssub.s32 s0, s26;
	s25 =	sadd.s32 $0x4000, s21;
	[dreg:$0x7] =	wrdreg s24  }
0xc: {  	s26 =	simm.s32 $0x1;
	s29 =	sadd.s32 $0x5000, s21;
	[dreg:$0x8] =	wrdreg s25  }
0xd: {  	v2 =	vlaneseq.u32;
	s5 =	sadd.s32 $0x100, s1;
	s30 =	sadd.s32 $0x6000, s21;
	[dreg:$0x9] =	wrdreg s29  }
0xe: {  	vm0 =	vmmov $0xffff;
	v1 =	vshrl.u32 v2, $0x3;
	s6 =	sadd.s32 $0x200, s1;
	s31 =	sadd.s32 $0x7000, s21;
	[dreg:$0xa] =	wrdreg s30  }
0xf: {  	v0 =	vand.u32 $0x7, v2;
	v2 =	vor.u32 $0x8, v2;
	v1 =	vmul.u32 $0x8, v1;
	s8 =	smax.u32 s0, $0x1;
	[dreg:$0xb] =	wrdreg s31;
	s24 =	simm.s32 $0x100  }
.LBB2_1:
0x10: {  	s20 =	rddreg [dreg:$0x4];
	s2 =	simm.s32 $0x3  }
0x11: {  	[tilespmem:s3], [sflag:$0x3] =	stream.linear.gather [hbm4b:s20+s3], $0x100, $0x38;
	[tilespmem:$0x10100] =	vst v63  }
0x12: {  	_ =	swait.ge [sflag:s2], $0x100  }
0x13: {  	[sflag:s2] =	ssyncset.done $0x0  }
0x14: {  	[sflag:s2] =	ssyncadd.s32 $0xFFFFFF00  }
0x15: {  	v3 =	vld [tilespmem:$0x0];
	_ =	sdelay $0x4  }
0x16: {  	v4 =	vshll.u32 v3, $0x3  }
0x17: {  	v3 =	vand.u32 $0x7, v3;
	v4 =	vand.u32 $0xFFFFFFC0, v4  }
0x18: {  	v3 =	vor.u32 v3, v4  }
0x19: {  	v4 =	vperm.xlane v3, v0;
	_ =	sdelay $0x1  }
0x1a: {  	v4 =	vadd.s32 v1, v4;
	_ =	sdelay $0x4  }
0x1b: {  	[tilespmem:s24], [sflag:$0x1] =	stream.indirect_vreg.gather [hbm4b:s1+s3], $0x80, v4, vm0, $0xb8;
	[tilespmem:$0x10100] =	vst v63  }
0x1c: {  	s0 =	simm.s32 $0x900;
	v3 =	vperm.xlane v3, v2  }
0x1d: {  	[tilespmem:s0], [sflag:$0x1] =	stream.indirect_vreg.gather [hbm4b:s5+s3], $0x80, v4, vm0, $0xb8;
	[tilespmem:$0x10100] =	vst v63  }
0x1e: {  	s4 =	simm.s32 $0x1100;
	v3 =	vadd.s32 v1, v3  }
0x1f: {  	[tilespmem:s4], [sflag:$0x1] =	stream.indirect_vreg.gather [hbm4b:s6+s3], $0x80, v4, vm0, $0xb8;
	[tilespmem:$0x10100] =	vst v63  }
0x20: {  	s9 =	simm.s32 $0x1900  }
0x21: {  	[tilespmem:s9], [sflag:$0x1] =	stream.indirect_vreg.gather [hbm4b:s7+s3], $0x80, v4, vm0, $0xb8;
	[tilespmem:$0x10100] =	vst v63  }
0x22: {  	s10 =	simm.s32 $0x2100  }
0x23: {  	[tilespmem:s10], [sflag:$0x1] =	stream.indirect_vreg.gather [hbm4b:s1+s3], $0x80, v3, vm0, $0xb8;
	[tilespmem:$0x10100] =	vst v63  }
0x24: {  	s11 =	simm.s32 $0x2900  }
0x25: {  	[tilespmem:s11], [sflag:$0x1] =	stream.indirect_vreg.gather [hbm4b:s5+s3], $0x80, v3, vm0, $0xb8;
	[tilespmem:$0x10100] =	vst v63  }
0x26: {  	s12 =	simm.s32 $0x3100  }
0x27: {  	[tilespmem:s12], [sflag:$0x1] =	stream.indirect_vreg.gather [hbm4b:s6+s3], $0x80, v3, vm0, $0xb8;
	[tilespmem:$0x10100] =	vst v63  }
0x28: {  	s14 =	simm.s32 $0x3900  }
0x29: {  	[tilespmem:s14], [sflag:$0x1] =	stream.indirect_vreg.gather [hbm4b:s7+s3], $0x80, v3, vm0, $0xb8;
	[tilespmem:$0x10100] =	vst v63  }
0x2a: {  	v3 =	vld [tilespmem:$0x10];
	_ =	sdelay $0x4  }
0x2b: {  	v49 =	vshll.u32 v3, $0x3  }
0x2c: {  	v3 =	vand.u32 $0x7, v3;
	v4 =	vand.u32 $0xFFFFFFC0, v49  }
0x2d: {  	v3 =	vor.u32 v3, v4  }
0x2e: {  	v4 =	vperm.xlane v3, v0;
	_ =	sdelay $0x1  }
0x2f: {  	v4 =	vadd.s32 v1, v4;
	_ =	sdelay $0x3  }
0x30: {  	s15 =	simm.s32 $0x4100  }
0x31: {  	[tilespmem:s15], [sflag:$0x1] =	stream.indirect_vreg.gather [hbm4b:s1+s3], $0x80, v4, vm0, $0xb8;
	[tilespmem:$0x10100] =	vst v63  }
0x32: {  	s16 =	simm.s32 $0x4900;
	v3 =	vperm.xlane v3, v2  }
0x33: {  	[tilespmem:s16], [sflag:$0x1] =	stream.indirect_vreg.gather [hbm4b:s5+s3], $0x80, v4, vm0, $0xb8;
	[tilespmem:$0x10100] =	vst v63  }
0x34: {  	s17 =	simm.s32 $0x5100;
	v3 =	vadd.s32 v1, v3  }
0x35: {  	[tilespmem:s17], [sflag:$0x1] =	stream.indirect_vreg.gather [hbm4b:s6+s3], $0x80, v4, vm0, $0xb8;
	[tilespmem:$0x10100] =	vst v63  }
0x36: {  	s18 =	simm.s32 $0x5900  }
0x37: {  	[tilespmem:s18], [sflag:$0x1] =	stream.indirect_vreg.gather [hbm4b:s7+s3], $0x80, v4, vm0, $0xb8;
	[tilespmem:$0x10100] =	vst v63  }
0x38: {  	s20 =	simm.s32 $0x6100  }
0x39: {  	[tilespmem:s20], [sflag:$0x1] =	stream.indirect_vreg.gather [hbm4b:s1+s3], $0x80, v3, vm0, $0xb8;
	[tilespmem:$0x10100] =	vst v63  }
0x3a: {  	s21 =	simm.s32 $0x6900  }
0x3b: {  	[tilespmem:s21], [sflag:$0x1] =	stream.indirect_vreg.gather [hbm4b:s5+s3], $0x80, v3, vm0, $0xb8;
	[tilespmem:$0x10100] =	vst v63  }
0x3c: {  	s22 =	simm.s32 $0x7100  }
0x3d: {  	[tilespmem:s22], [sflag:$0x1] =	stream.indirect_vreg.gather [hbm4b:s6+s3], $0x80, v3, vm0, $0xb8;
	[tilespmem:$0x10100] =	vst v63  }
0x3e: {  	s23 =	simm.s32 $0x7900  }
0x3f: {  	[tilespmem:s23], [sflag:$0x1] =	stream.indirect_vreg.gather [hbm4b:s7+s3], $0x80, v3, vm0, $0xb8;
	[tilespmem:$0x10100] =	vst v63  }
0x40: {  	_ =	swait.ge [sflag:s26], $0x8000  }
0x41: {  	[sflag:s26] =	ssyncset.done $0x0  }
0x42: {  	s25 =	rddreg [dreg:$0xc];
	[sflag:s26] =	ssyncadd.s32 $0xFFFF8000  }
0x43: {  	[hbm4b:s25+s3] =	stream.linear.scatter [tilespmem:s24], [sflag:$0x2], $0x8000, $0x38;
	[tilespmem:$0x10100] =	vst v63  }
0x44: {  	v3 =	vld [tilespmem:$0x20];
	_ =	sdelay $0x4  }
0x45: {  	v50 =	vshll.u32 v3, $0x3  }
0x46: {  	v3 =	vand.u32 $0x7, v3;
	v4 =	vand.u32 $0xFFFFFFC0, v50  }
0x47: {  	v3 =	vor.u32 v3, v4  }
0x48: {  	v4 =	vperm.xlane v3, v0;
	_ =	sdelay $0x1  }
0x49: {  	v4 =	vadd.s32 v1, v4;
	_ =	sdelay $0x4  }
0x4a: {  	[tilespmem:s28], [sflag:$0x1] =	stream.indirect_vreg.gather [hbm4b:s1+s3], $0x80, v4, vm0, $0xb8;
	[tilespmem:$0x10100] =	vst v63  }
0x4b: {  	s29 =	simm.s32 $0x8900;
	v3 =	vperm.xlane v3, v2  }
0x4c: {  	[tilespmem:s29], [sflag:$0x1] =	stream.indirect_vreg.gather [hbm4b:s5+s3], $0x80, v4, vm0, $0xb8;
	[tilespmem:$0x10100] =	vst v63  }
0x4d: {  	s30 =	simm.s32 $0x9100;
	v3 =	vadd.s32 v1, v3  }
0x4e: {  	[tilespmem:s30], [sflag:$0x1] =	stream.indirect_vreg.gather [hbm4b:s6+s3], $0x80, v4, vm0, $0xb8;
	[tilespmem:$0x10100] =	vst v63  }
0x4f: {  	s31 =	simm.s32 $0x9900  }
0x50: {  	[tilespmem:s31], [sflag:$0x1] =	stream.indirect_vreg.gather [hbm4b:s7+s3], $0x80, v4, vm0, $0xb8;
	[tilespmem:$0x10100] =	vst v63  }
0x51: {  	s16 =	simm.s32 $0xA100  }
0x52: {  	[tilespmem:s16], [sflag:$0x1] =	stream.indirect_vreg.gather [hbm4b:s1+s3], $0x80, v3, vm0, $0xb8;
	[tilespmem:$0x10100] =	vst v63  }
0x53: {  	s17 =	simm.s32 $0xA900  }
0x54: {  	[tilespmem:s17], [sflag:$0x1] =	stream.indirect_vreg.gather [hbm4b:s5+s3], $0x80, v3, vm0, $0xb8;
	[tilespmem:$0x10100] =	vst v63  }
0x55: {  	s18 =	simm.s32 $0xB100  }
0x56: {  	[tilespmem:s18], [sflag:$0x1] =	stream.indirect_vreg.gather [hbm4b:s6+s3], $0x80, v3, vm0, $0xb8;
	[tilespmem:$0x10100] =	vst v63  }
0x57: {  	s21 =	simm.s32 $0xB900  }
0x58: {  	[tilespmem:s21], [sflag:$0x1] =	stream.indirect_vreg.gather [hbm4b:s7+s3], $0x80, v3, vm0, $0xb8;
	[tilespmem:$0x10100] =	vst v63  }
0x59: {  	v3 =	vld [tilespmem:$0x30];
	_ =	sdelay $0x4  }
0x5a: {  	v51 =	vshll.u32 v3, $0x3  }
0x5b: {  	v3 =	vand.u32 $0x7, v3;
	v4 =	vand.u32 $0xFFFFFFC0, v51  }
0x5c: {  	v3 =	vor.u32 v3, v4  }
0x5d: {  	v4 =	vperm.xlane v3, v0;
	_ =	sdelay $0x1  }
0x5e: {  	v4 =	vadd.s32 v1, v4;
	_ =	sdelay $0x3  }
0x5f: {  	s23 =	simm.s32 $0xC100  }
0x60: {  	[tilespmem:s23], [sflag:$0x1] =	stream.indirect_vreg.gather [hbm4b:s1+s3], $0x80, v4, vm0, $0xb8;
	[tilespmem:$0x10100] =	vst v63  }
0x61: {  	s25 =	simm.s32 $0xC900;
	v3 =	vperm.xlane v3, v2  }
0x62: {  	[tilespmem:s25], [sflag:$0x1] =	stream.indirect_vreg.gather [hbm4b:s5+s3], $0x80, v4, vm0, $0xb8;
	[tilespmem:$0x10100] =	vst v63  }
0x63: {  	s30 =	simm.s32 $0xD100;
	v3 =	vadd.s32 v1, v3  }
0x64: {  	[tilespmem:s30], [sflag:$0x1] =	stream.indirect_vreg.gather [hbm4b:s6+s3], $0x80, v4, vm0, $0xb8;
	[tilespmem:$0x10100] =	vst v63  }
0x65: {  	s31 =	simm.s32 $0xD900  }
0x66: {  	[tilespmem:s31], [sflag:$0x1] =	stream.indirect_vreg.gather [hbm4b:s7+s3], $0x80, v4, vm0, $0xb8;
	[tilespmem:$0x10100] =	vst v63  }
0x67: {  	s0 =	simm.s32 $0xE100  }
0x68: {  	[tilespmem:s0], [sflag:$0x1] =	stream.indirect_vreg.gather [hbm4b:s1+s3], $0x80, v3, vm0, $0xb8;
	[tilespmem:$0x10100] =	vst v63  }
0x69: {  	s17 =	simm.s32 $0xE900  }
0x6a: {  	[tilespmem:s17], [sflag:$0x1] =	stream.indirect_vreg.gather [hbm4b:s5+s3], $0x80, v3, vm0, $0xb8;
	[tilespmem:$0x10100] =	vst v63  }
0x6b: {  	s23 =	simm.s32 $0xF100  }
0x6c: {  	[tilespmem:s23], [sflag:$0x1] =	stream.indirect_vreg.gather [hbm4b:s6+s3], $0x80, v3, vm0, $0xb8;
	[tilespmem:$0x10100] =	vst v63  }
0x6d: {  	s30 =	simm.s32 $0xF900  }
0x6e: {  	[tilespmem:s30], [sflag:$0x1] =	stream.indirect_vreg.gather [hbm4b:s7+s3], $0x80, v3, vm0, $0xb8;
	[tilespmem:$0x10100] =	vst v63  }
0x6f: {  	_ =	swait.ge [sflag:s26], $0x8000  }
0x70: {  	[sflag:s26] =	ssyncset.done $0x0  }
0x71: {  	s0 =	rddreg [dreg:$0x5];
	[sflag:s26] =	ssyncadd.s32 $0xFFFF8000  }
0x72: {  	[hbm4b:s0+s3] =	stream.linear.scatter [tilespmem:s28], [sflag:$0x2], $0x8000, $0x38;
	[tilespmem:$0x10100] =	vst v63  }
0x73: {  	_ =	swait.ge [sflag:s19], $0x8000  }
0x74: {  	[sflag:s19] =	ssyncset.done $0x0  }
0x75: {  	[sflag:s19] =	ssyncadd.s32 $0xFFFF8000  }
0x76: {  	v3 =	vld [tilespmem:$0x40];
	_ =	sdelay $0x4  }
0x77: {  	v52 =	vshll.u32 v3, $0x3  }
0x78: {  	v3 =	vand.u32 $0x7, v3;
	v4 =	vand.u32 $0xFFFFFFC0, v52  }
0x79: {  	v3 =	vor.u32 v3, v4  }
0x7a: {  	v4 =	vperm.xlane v3, v0;
	_ =	sdelay $0x1  }
0x7b: {  	v4 =	vadd.s32 v1, v4;
	_ =	sdelay $0x4  }
0x7c: {  	[tilespmem:s24], [sflag:$0x1] =	stream.indirect_vreg.gather [hbm4b:s1+s3], $0x80, v4, vm0, $0xb8;
	[tilespmem:$0x10100] =	vst v63  }
0x7d: {  	s13 =	simm.s32 $0x900;
	v3 =	vperm.xlane v3, v2  }
0x7e: {  	[tilespmem:s13], [sflag:$0x1] =	stream.indirect_vreg.gather [hbm4b:s5+s3], $0x80, v4, vm0, $0xb8;
	[tilespmem:$0x10100] =	vst v63  }
0x7f: {  	s4 =	simm.s32 $0x1100;
	v3 =	vadd.s32 v1, v3  }
0x80: {  	[tilespmem:s4], [sflag:$0x1] =	stream.indirect_vreg.gather [hbm4b:s6+s3], $0x80, v4, vm0, $0xb8;
	[tilespmem:$0x10100] =	vst v63  }
0x81: {  	s9 =	simm.s32 $0x1900  }
0x82: {  	[tilespmem:s9], [sflag:$0x1] =	stream.indirect_vreg.gather [hbm4b:s7+s3], $0x80, v4, vm0, $0xb8;
	[tilespmem:$0x10100] =	vst v63  }
0x83: {  	s10 =	simm.s32 $0x2100  }
0x84: {  	[tilespmem:s10], [sflag:$0x1] =	stream.indirect_vreg.gather [hbm4b:s1+s3], $0x80, v3, vm0, $0xb8;
	[tilespmem:$0x10100] =	vst v63  }
0x85: {  	s11 =	simm.s32 $0x2900  }
0x86: {  	[tilespmem:s11], [sflag:$0x1] =	stream.indirect_vreg.gather [hbm4b:s5+s3], $0x80, v3, vm0, $0xb8;
	[tilespmem:$0x10100] =	vst v63  }
0x87: {  	s12 =	simm.s32 $0x3100  }
0x88: {  	[tilespmem:s12], [sflag:$0x1] =	stream.indirect_vreg.gather [hbm4b:s6+s3], $0x80, v3, vm0, $0xb8;
	[tilespmem:$0x10100] =	vst v63  }
0x89: {  	s14 =	simm.s32 $0x3900  }
0x8a: {  	[tilespmem:s14], [sflag:$0x1] =	stream.indirect_vreg.gather [hbm4b:s7+s3], $0x80, v3, vm0, $0xb8;
	[tilespmem:$0x10100] =	vst v63  }
0x8b: {  	v3 =	vld [tilespmem:$0x50];
	_ =	sdelay $0x4  }
0x8c: {  	v53 =	vshll.u32 v3, $0x3  }
0x8d: {  	v3 =	vand.u32 $0x7, v3;
	v4 =	vand.u32 $0xFFFFFFC0, v53  }
0x8e: {  	v3 =	vor.u32 v3, v4  }
0x8f: {  	v4 =	vperm.xlane v3, v0;
	_ =	sdelay $0x1  }
0x90: {  	v4 =	vadd.s32 v1, v4;
	_ =	sdelay $0x3  }
0x91: {  	s15 =	simm.s32 $0x4100  }
0x92: {  	[tilespmem:s15], [sflag:$0x1] =	stream.indirect_vreg.gather [hbm4b:s1+s3], $0x80, v4, vm0, $0xb8;
	[tilespmem:$0x10100] =	vst v63  }
0x93: {  	s14 =	simm.s32 $0x4900;
	v3 =	vperm.xlane v3, v2  }
0x94: {  	[tilespmem:s14], [sflag:$0x1] =	stream.indirect_vreg.gather [hbm4b:s5+s3], $0x80, v4, vm0, $0xb8;
	[tilespmem:$0x10100] =	vst v63  }
0x95: {  	s9 =	simm.s32 $0x5100;
	v3 =	vadd.s32 v1, v3  }
0x96: {  	[tilespmem:s9], [sflag:$0x1] =	stream.indirect_vreg.gather [hbm4b:s6+s3], $0x80, v4, vm0, $0xb8;
	[tilespmem:$0x10100] =	vst v63  }
0x97: {  	s10 =	simm.s32 $0x5900  }
0x98: {  	[tilespmem:s10], [sflag:$0x1] =	stream.indirect_vreg.gather [hbm4b:s7+s3], $0x80, v4, vm0, $0xb8;
	[tilespmem:$0x10100] =	vst v63  }
0x99: {  	s11 =	simm.s32 $0x6100  }
0x9a: {  	[tilespmem:s11], [sflag:$0x1] =	stream.indirect_vreg.gather [hbm4b:s1+s3], $0x80, v3, vm0, $0xb8;
	[tilespmem:$0x10100] =	vst v63  }
0x9b: {  	s12 =	simm.s32 $0x6900  }
0x9c: {  	[tilespmem:s12], [sflag:$0x1] =	stream.indirect_vreg.gather [hbm4b:s5+s3], $0x80, v3, vm0, $0xb8;
	[tilespmem:$0x10100] =	vst v63  }
0x9d: {  	s13 =	simm.s32 $0x7100  }
0x9e: {  	[tilespmem:s13], [sflag:$0x1] =	stream.indirect_vreg.gather [hbm4b:s6+s3], $0x80, v3, vm0, $0xb8;
	[tilespmem:$0x10100] =	vst v63  }
0x9f: {  	s15 =	simm.s32 $0x7900  }
0xa0: {  	[tilespmem:s15], [sflag:$0x1] =	stream.indirect_vreg.gather [hbm4b:s7+s3], $0x80, v3, vm0, $0xb8;
	[tilespmem:$0x10100] =	vst v63  }
0xa1: {  	_ =	swait.ge [sflag:s26], $0x8000  }
0xa2: {  	[sflag:s26] =	ssyncset.done $0x0  }
0xa3: {  	s23 =	rddreg [dreg:$0x6];
	[sflag:s26] =	ssyncadd.s32 $0xFFFF8000  }
0xa4: {  	[hbm4b:s23+s3] =	stream.linear.scatter [tilespmem:s24], [sflag:$0x2], $0x8000, $0x38;
	[tilespmem:$0x10100] =	vst v63  }
0xa5: {  	_ =	swait.ge [sflag:s19], $0x8000  }
0xa6: {  	[sflag:s19] =	ssyncset.done $0x0  }
0xa7: {  	[sflag:s19] =	ssyncadd.s32 $0xFFFF8000  }
0xa8: {  	v3 =	vld [tilespmem:$0x60];
	_ =	sdelay $0x4  }
0xa9: {  	v54 =	vshll.u32 v3, $0x3  }
0xaa: {  	v3 =	vand.u32 $0x7, v3;
	v4 =	vand.u32 $0xFFFFFFC0, v54  }
0xab: {  	v3 =	vor.u32 v3, v4  }
0xac: {  	v4 =	vperm.xlane v3, v0;
	_ =	sdelay $0x1  }
0xad: {  	v4 =	vadd.s32 v1, v4;
	_ =	sdelay $0x4  }
0xae: {  	[tilespmem:s28], [sflag:$0x1] =	stream.indirect_vreg.gather [hbm4b:s1+s3], $0x80, v4, vm0, $0xb8;
	[tilespmem:$0x10100] =	vst v63  }
0xaf: {  	s2 =	simm.s32 $0x8900;
	v3 =	vperm.xlane v3, v2  }
0xb0: {  	[tilespmem:s2], [sflag:$0x1] =	stream.indirect_vreg.gather [hbm4b:s5+s3], $0x80, v4, vm0, $0xb8;
	[tilespmem:$0x10100] =	vst v63  }
0xb1: {  	s0 =	simm.s32 $0x9100;
	v3 =	vadd.s32 v1, v3  }
0xb2: {  	[tilespmem:s0], [sflag:$0x1] =	stream.indirect_vreg.gather [hbm4b:s6+s3], $0x80, v4, vm0, $0xb8;
	[tilespmem:$0x10100] =	vst v63  }
0xb3: {  	s2 =	simm.s32 $0x9900  }
0xb4: {  	[tilespmem:s2], [sflag:$0x1] =	stream.indirect_vreg.gather [hbm4b:s7+s3], $0x80, v4, vm0, $0xb8;
	[tilespmem:$0x10100] =	vst v63  }
0xb5: {  	s4 =	simm.s32 $0xA100  }
0xb6: {  	[tilespmem:s4], [sflag:$0x1] =	stream.indirect_vreg.gather [hbm4b:s1+s3], $0x80, v3, vm0, $0xb8;
	[tilespmem:$0x10100] =	vst v63  }
0xb7: {  	s29 =	simm.s32 $0xA900  }
0xb8: {  	[tilespmem:s29], [sflag:$0x1] =	stream.indirect_vreg.gather [hbm4b:s5+s3], $0x80, v3, vm0, $0xb8;
	[tilespmem:$0x10100] =	vst v63  }
0xb9: {  	s22 =	simm.s32 $0xB100  }
0xba: {  	[tilespmem:s22], [sflag:$0x1] =	stream.indirect_vreg.gather [hbm4b:s6+s3], $0x80, v3, vm0, $0xb8;
	[tilespmem:$0x10100] =	vst v63  }
0xbb: {  	s18 =	simm.s32 $0xB900  }
0xbc: {  	[tilespmem:s18], [sflag:$0x1] =	stream.indirect_vreg.gather [hbm4b:s7+s3], $0x80, v3, vm0, $0xb8;
	[tilespmem:$0x10100] =	vst v63  }
0xbd: {  	v3 =	vld [tilespmem:$0x70];
	_ =	sdelay $0x4  }
0xbe: {  	v55 =	vshll.u32 v3, $0x3  }
0xbf: {  	v3 =	vand.u32 $0x7, v3;
	v4 =	vand.u32 $0xFFFFFFC0, v55  }
0xc0: {  	v3 =	vor.u32 v3, v4  }
0xc1: {  	v4 =	vperm.xlane v3, v0;
	_ =	sdelay $0x1  }
0xc2: {  	v4 =	vadd.s32 v1, v4;
	_ =	sdelay $0x3  }
0xc3: {  	s21 =	simm.s32 $0xC100  }
0xc4: {  	[tilespmem:s21], [sflag:$0x1] =	stream.indirect_vreg.gather [hbm4b:s1+s3], $0x80, v4, vm0, $0xb8;
	[tilespmem:$0x10100] =	vst v63  }
0xc5: {  	s16 =	simm.s32 $0xC900;
	v3 =	vperm.xlane v3, v2  }
0xc6: {  	[tilespmem:s16], [sflag:$0x1] =	stream.indirect_vreg.gather [hbm4b:s5+s3], $0x80, v4, vm0, $0xb8;
	[tilespmem:$0x10100] =	vst v63  }
0xc7: {  	s25 =	simm.s32 $0xD100;
	v3 =	vadd.s32 v1, v3  }
0xc8: {  	[tilespmem:s25], [sflag:$0x1] =	stream.indirect_vreg.gather [hbm4b:s6+s3], $0x80, v4, vm0, $0xb8;
	[tilespmem:$0x10100] =	vst v63  }
0xc9: {  	s31 =	simm.s32 $0xD900  }
0xca: {  	[tilespmem:s31], [sflag:$0x1] =	stream.indirect_vreg.gather [hbm4b:s7+s3], $0x80, v4, vm0, $0xb8;
	[tilespmem:$0x10100] =	vst v63  }
0xcb: {  	s29 =	simm.s32 $0xE100  }
0xcc: {  	[tilespmem:s29], [sflag:$0x1] =	stream.indirect_vreg.gather [hbm4b:s1+s3], $0x80, v3, vm0, $0xb8;
	[tilespmem:$0x10100] =	vst v63  }
0xcd: {  	s20 =	simm.s32 $0xE900  }
0xce: {  	[tilespmem:s20], [sflag:$0x1] =	stream.indirect_vreg.gather [hbm4b:s5+s3], $0x80, v3, vm0, $0xb8;
	[tilespmem:$0x10100] =	vst v63  }
0xcf: {  	s20 =	simm.s32 $0xF100  }
0xd0: {  	[tilespmem:s20], [sflag:$0x1] =	stream.indirect_vreg.gather [hbm4b:s6+s3], $0x80, v3, vm0, $0xb8;
	[tilespmem:$0x10100] =	vst v63  }
0xd1: {  	s17 =	simm.s32 $0xF900  }
0xd2: {  	[tilespmem:s17], [sflag:$0x1] =	stream.indirect_vreg.gather [hbm4b:s7+s3], $0x80, v3, vm0, $0xb8;
	[tilespmem:$0x10100] =	vst v63  }
0xd3: {  	_ =	swait.ge [sflag:s26], $0x8000  }
0xd4: {  	[sflag:s26] =	ssyncset.done $0x0  }
0xd5: {  	s17 =	rddreg [dreg:$0x7];
	[sflag:s26] =	ssyncadd.s32 $0xFFFF8000  }
0xd6: {  	[hbm4b:s17+s3] =	stream.linear.scatter [tilespmem:s28], [sflag:$0x2], $0x8000, $0x38;
	[tilespmem:$0x10100] =	vst v63  }
0xd7: {  	_ =	swait.ge [sflag:s19], $0x8000  }
0xd8: {  	[sflag:s19] =	ssyncset.done $0x0  }
0xd9: {  	[sflag:s19] =	ssyncadd.s32 $0xFFFF8000  }
0xda: {  	v3 =	vld [tilespmem:$0x80];
	_ =	sdelay $0x4  }
0xdb: {  	v56 =	vshll.u32 v3, $0x3  }
0xdc: {  	v3 =	vand.u32 $0x7, v3;
	v4 =	vand.u32 $0xFFFFFFC0, v56  }
0xdd: {  	v3 =	vor.u32 v3, v4  }
0xde: {  	v4 =	vperm.xlane v3, v0;
	_ =	sdelay $0x1  }
0xdf: {  	v4 =	vadd.s32 v1, v4;
	_ =	sdelay $0x4  }
0xe0: {  	[tilespmem:s24], [sflag:$0x1] =	stream.indirect_vreg.gather [hbm4b:s1+s3], $0x80, v4, vm0, $0xb8;
	[tilespmem:$0x10100] =	vst v63  }
0xe1: {  	s20 =	simm.s32 $0x900;
	v3 =	vperm.xlane v3, v2  }
0xe2: {  	[tilespmem:s20], [sflag:$0x1] =	stream.indirect_vreg.gather [hbm4b:s5+s3], $0x80, v4, vm0, $0xb8;
	[tilespmem:$0x10100] =	vst v63  }
0xe3: {  	v3 =	vadd.s32 v1, v3;
	s20 =	simm.s32 $0x1100  }
0xe4: {  	[tilespmem:s20], [sflag:$0x1] =	stream.indirect_vreg.gather [hbm4b:s6+s3], $0x80, v4, vm0, $0xb8;
	[tilespmem:$0x10100] =	vst v63  }
0xe5: {  	s20 =	simm.s32 $0x1900  }
0xe6: {  	[tilespmem:s20], [sflag:$0x1] =	stream.indirect_vreg.gather [hbm4b:s7+s3], $0x80, v4, vm0, $0xb8;
	[tilespmem:$0x10100] =	vst v63  }
0xe7: {  	s20 =	simm.s32 $0x2100  }
0xe8: {  	[tilespmem:s20], [sflag:$0x1] =	stream.indirect_vreg.gather [hbm4b:s1+s3], $0x80, v3, vm0, $0xb8;
	[tilespmem:$0x10100] =	vst v63  }
0xe9: {  	s20 =	simm.s32 $0x2900  }
0xea: {  	[tilespmem:s20], [sflag:$0x1] =	stream.indirect_vreg.gather [hbm4b:s5+s3], $0x80, v3, vm0, $0xb8;
	[tilespmem:$0x10100] =	vst v63  }
0xeb: {  	s20 =	simm.s32 $0x3100  }
0xec: {  	[tilespmem:s20], [sflag:$0x1] =	stream.indirect_vreg.gather [hbm4b:s6+s3], $0x80, v3, vm0, $0xb8;
	[tilespmem:$0x10100] =	vst v63  }
0xed: {  	s20 =	simm.s32 $0x3900  }
0xee: {  	[tilespmem:s20], [sflag:$0x1] =	stream.indirect_vreg.gather [hbm4b:s7+s3], $0x80, v3, vm0, $0xb8;
	[tilespmem:$0x10100] =	vst v63  }
0xef: {  	v3 =	vld [tilespmem:$0x90];
	_ =	sdelay $0x4  }
0xf0: {  	v57 =	vshll.u32 v3, $0x3  }
0xf1: {  	v3 =	vand.u32 $0x7, v3;
	v4 =	vand.u32 $0xFFFFFFC0, v57  }
0xf2: {  	v3 =	vor.u32 v3, v4  }
0xf3: {  	v4 =	vperm.xlane v3, v0;
	_ =	sdelay $0x1  }
0xf4: {  	v4 =	vadd.s32 v1, v4;
	_ =	sdelay $0x3  }
0xf5: {  	s20 =	simm.s32 $0x4100  }
0xf6: {  	[tilespmem:s20], [sflag:$0x1] =	stream.indirect_vreg.gather [hbm4b:s1+s3], $0x80, v4, vm0, $0xb8;
	[tilespmem:$0x10100] =	vst v63  }
0xf7: {  	v3 =	vperm.xlane v3, v2  }
0xf8: {  	[tilespmem:s14], [sflag:$0x1] =	stream.indirect_vreg.gather [hbm4b:s5+s3], $0x80, v4, vm0, $0xb8;
	[tilespmem:$0x10100] =	vst v63  }
0xf9: {  	v3 =	vadd.s32 v1, v3  }
0xfa: {  	[tilespmem:s9], [sflag:$0x1] =	stream.indirect_vreg.gather [hbm4b:s6+s3], $0x80, v4, vm0, $0xb8;
	[tilespmem:$0x10100] =	vst v63  }
0xfb: {  	_ = 	snop  }
0xfc: {  	[tilespmem:s10], [sflag:$0x1] =	stream.indirect_vreg.gather [hbm4b:s7+s3], $0x80, v4, vm0, $0xb8;
	[tilespmem:$0x10100] =	vst v63  }
0xfd: {  	_ = 	snop  }
0xfe: {  	[tilespmem:s11], [sflag:$0x1] =	stream.indirect_vreg.gather [hbm4b:s1+s3], $0x80, v3, vm0, $0xb8;
	[tilespmem:$0x10100] =	vst v63  }
0xff: {  	_ = 	snop  }
0x100: {  	[tilespmem:s12], [sflag:$0x1] =	stream.indirect_vreg.gather [hbm4b:s5+s3], $0x80, v3, vm0, $0xb8;
	[tilespmem:$0x10100] =	vst v63  }
0x101: {  	_ = 	snop  }
0x102: {  	[tilespmem:s13], [sflag:$0x1] =	stream.indirect_vreg.gather [hbm4b:s6+s3], $0x80, v3, vm0, $0xb8;
	[tilespmem:$0x10100] =	vst v63  }
0x103: {  	_ = 	snop  }
0x104: {  	[tilespmem:s15], [sflag:$0x1] =	stream.indirect_vreg.gather [hbm4b:s7+s3], $0x80, v3, vm0, $0xb8;
	[tilespmem:$0x10100] =	vst v63  }
0x105: {  	_ =	swait.ge [sflag:s26], $0x8000  }
0x106: {  	[sflag:s26] =	ssyncset.done $0x0  }
0x107: {  	s17 =	rddreg [dreg:$0x8];
	[sflag:s26] =	ssyncadd.s32 $0xFFFF8000  }
0x108: {  	[hbm4b:s17+s3] =	stream.linear.scatter [tilespmem:s24], [sflag:$0x2], $0x8000, $0x38;
	[tilespmem:$0x10100] =	vst v63  }
0x109: {  	_ =	swait.ge [sflag:s19], $0x8000  }
0x10a: {  	[sflag:s19] =	ssyncset.done $0x0  }
0x10b: {  	[sflag:s19] =	ssyncadd.s32 $0xFFFF8000  }
0x10c: {  	v3 =	vld [tilespmem:$0xA0];
	_ =	sdelay $0x4  }
0x10d: {  	v58 =	vshll.u32 v3, $0x3  }
0x10e: {  	v3 =	vand.u32 $0x7, v3;
	v4 =	vand.u32 $0xFFFFFFC0, v58  }
0x10f: {  	v3 =	vor.u32 v3, v4  }
0x110: {  	v4 =	vperm.xlane v3, v0;
	_ =	sdelay $0x1  }
0x111: {  	v4 =	vadd.s32 v1, v4;
	_ =	sdelay $0x4  }
0x112: {  	[tilespmem:s28], [sflag:$0x1] =	stream.indirect_vreg.gather [hbm4b:s1+s3], $0x80, v4, vm0, $0xb8;
	[tilespmem:$0x10100] =	vst v63  }
0x113: {  	s30 =	simm.s32 $0x8900;
	v3 =	vperm.xlane v3, v2  }
0x114: {  	[tilespmem:s30], [sflag:$0x1] =	stream.indirect_vreg.gather [hbm4b:s5+s3], $0x80, v4, vm0, $0xb8;
	[tilespmem:$0x10100] =	vst v63  }
0x115: {  	v3 =	vadd.s32 v1, v3  }
0x116: {  	[tilespmem:s0], [sflag:$0x1] =	stream.indirect_vreg.gather [hbm4b:s6+s3], $0x80, v4, vm0, $0xb8;
	[tilespmem:$0x10100] =	vst v63  }
0x117: {  	_ = 	snop  }
0x118: {  	[tilespmem:s2], [sflag:$0x1] =	stream.indirect_vreg.gather [hbm4b:s7+s3], $0x80, v4, vm0, $0xb8;
	[tilespmem:$0x10100] =	vst v63  }
0x119: {  	_ = 	snop  }
0x11a: {  	[tilespmem:s4], [sflag:$0x1] =	stream.indirect_vreg.gather [hbm4b:s1+s3], $0x80, v3, vm0, $0xb8;
	[tilespmem:$0x10100] =	vst v63  }
0x11b: {  	s23 =	simm.s32 $0xA900  }
0x11c: {  	[tilespmem:s23], [sflag:$0x1] =	stream.indirect_vreg.gather [hbm4b:s5+s3], $0x80, v3, vm0, $0xb8;
	[tilespmem:$0x10100] =	vst v63  }
0x11d: {  	s22 =	simm.s32 $0xB100  }
0x11e: {  	[tilespmem:s22], [sflag:$0x1] =	stream.indirect_vreg.gather [hbm4b:s6+s3], $0x80, v3, vm0, $0xb8;
	[tilespmem:$0x10100] =	vst v63  }
0x11f: {  	s18 =	simm.s32 $0xB900  }
0x120: {  	[tilespmem:s18], [sflag:$0x1] =	stream.indirect_vreg.gather [hbm4b:s7+s3], $0x80, v3, vm0, $0xb8;
	[tilespmem:$0x10100] =	vst v63  }
0x121: {  	v3 =	vld [tilespmem:$0xB0];
	_ =	sdelay $0x4  }
0x122: {  	v59 =	vshll.u32 v3, $0x3  }
0x123: {  	v3 =	vand.u32 $0x7, v3;
	v4 =	vand.u32 $0xFFFFFFC0, v59  }
0x124: {  	v3 =	vor.u32 v3, v4  }
0x125: {  	v4 =	vperm.xlane v3, v0;
	_ =	sdelay $0x1  }
0x126: {  	v4 =	vadd.s32 v1, v4;
	_ =	sdelay $0x3  }
0x127: {  	s21 =	simm.s32 $0xC100  }
0x128: {  	[tilespmem:s21], [sflag:$0x1] =	stream.indirect_vreg.gather [hbm4b:s1+s3], $0x80, v4, vm0, $0xb8;
	[tilespmem:$0x10100] =	vst v63  }
0x129: {  	v3 =	vperm.xlane v3, v2;
	s21 =	simm.s32 $0xC900  }
0x12a: {  	[tilespmem:s21], [sflag:$0x1] =	stream.indirect_vreg.gather [hbm4b:s5+s3], $0x80, v4, vm0, $0xb8;
	[tilespmem:$0x10100] =	vst v63  }
0x12b: {  	s25 =	simm.s32 $0xD100;
	v3 =	vadd.s32 v1, v3  }
0x12c: {  	[tilespmem:s25], [sflag:$0x1] =	stream.indirect_vreg.gather [hbm4b:s6+s3], $0x80, v4, vm0, $0xb8;
	[tilespmem:$0x10100] =	vst v63  }
0x12d: {  	s31 =	simm.s32 $0xD900  }
0x12e: {  	[tilespmem:s31], [sflag:$0x1] =	stream.indirect_vreg.gather [hbm4b:s7+s3], $0x80, v4, vm0, $0xb8;
	[tilespmem:$0x10100] =	vst v63  }
0x12f: {  	s29 =	simm.s32 $0xE100  }
0x130: {  	[tilespmem:s29], [sflag:$0x1] =	stream.indirect_vreg.gather [hbm4b:s1+s3], $0x80, v3, vm0, $0xb8;
	[tilespmem:$0x10100] =	vst v63  }
0x131: {  	s29 =	simm.s32 $0xE900  }
0x132: {  	[tilespmem:s29], [sflag:$0x1] =	stream.indirect_vreg.gather [hbm4b:s5+s3], $0x80, v3, vm0, $0xb8;
	[tilespmem:$0x10100] =	vst v63  }
0x133: {  	s16 =	simm.s32 $0xF100  }
0x134: {  	[tilespmem:s16], [sflag:$0x1] =	stream.indirect_vreg.gather [hbm4b:s6+s3], $0x80, v3, vm0, $0xb8;
	[tilespmem:$0x10100] =	vst v63  }
0x135: {  	s20 =	simm.s32 $0xF900  }
0x136: {  	[tilespmem:s20], [sflag:$0x1] =	stream.indirect_vreg.gather [hbm4b:s7+s3], $0x80, v3, vm0, $0xb8;
	[tilespmem:$0x10100] =	vst v63  }
0x137: {  	_ =	swait.ge [sflag:s26], $0x8000  }
0x138: {  	[sflag:s26] =	ssyncset.done $0x0  }
0x139: {  	s20 =	rddreg [dreg:$0x9];
	[sflag:s26] =	ssyncadd.s32 $0xFFFF8000  }
0x13a: {  	[hbm4b:s20+s3] =	stream.linear.scatter [tilespmem:s28], [sflag:$0x2], $0x8000, $0x38;
	[tilespmem:$0x10100] =	vst v63  }
0x13b: {  	_ =	swait.ge [sflag:s19], $0x8000  }
0x13c: {  	[sflag:s19] =	ssyncset.done $0x0  }
0x13d: {  	[sflag:s19] =	ssyncadd.s32 $0xFFFF8000  }
0x13e: {  	v3 =	vld [tilespmem:$0xC0];
	_ =	sdelay $0x4  }
0x13f: {  	v60 =	vshll.u32 v3, $0x3  }
0x140: {  	v3 =	vand.u32 $0x7, v3;
	v4 =	vand.u32 $0xFFFFFFC0, v60  }
0x141: {  	v3 =	vor.u32 v3, v4  }
0x142: {  	v4 =	vperm.xlane v3, v0;
	_ =	sdelay $0x1  }
0x143: {  	v4 =	vadd.s32 v1, v4;
	_ =	sdelay $0x4  }
0x144: {  	[tilespmem:s24], [sflag:$0x1] =	stream.indirect_vreg.gather [hbm4b:s1+s3], $0x80, v4, vm0, $0xb8;
	[tilespmem:$0x10100] =	vst v63  }
0x145: {  	s20 =	simm.s32 $0x900;
	v3 =	vperm.xlane v3, v2  }
0x146: {  	[tilespmem:s20], [sflag:$0x1] =	stream.indirect_vreg.gather [hbm4b:s5+s3], $0x80, v4, vm0, $0xb8;
	[tilespmem:$0x10100] =	vst v63  }
0x147: {  	v3 =	vadd.s32 v1, v3;
	s20 =	simm.s32 $0x1100  }
0x148: {  	[tilespmem:s20], [sflag:$0x1] =	stream.indirect_vreg.gather [hbm4b:s6+s3], $0x80, v4, vm0, $0xb8;
	[tilespmem:$0x10100] =	vst v63  }
0x149: {  	s20 =	simm.s32 $0x1900  }
0x14a: {  	[tilespmem:s20], [sflag:$0x1] =	stream.indirect_vreg.gather [hbm4b:s7+s3], $0x80, v4, vm0, $0xb8;
	[tilespmem:$0x10100] =	vst v63  }
0x14b: {  	s20 =	simm.s32 $0x2100  }
0x14c: {  	[tilespmem:s20], [sflag:$0x1] =	stream.indirect_vreg.gather [hbm4b:s1+s3], $0x80, v3, vm0, $0xb8;
	[tilespmem:$0x10100] =	vst v63  }
0x14d: {  	s20 =	simm.s32 $0x2900  }
0x14e: {  	[tilespmem:s20], [sflag:$0x1] =	stream.indirect_vreg.gather [hbm4b:s5+s3], $0x80, v3, vm0, $0xb8;
	[tilespmem:$0x10100] =	vst v63  }
0x14f: {  	s20 =	simm.s32 $0x3100  }
0x150: {  	[tilespmem:s20], [sflag:$0x1] =	stream.indirect_vreg.gather [hbm4b:s6+s3], $0x80, v3, vm0, $0xb8;
	[tilespmem:$0x10100] =	vst v63  }
0x151: {  	s20 =	simm.s32 $0x3900  }
0x152: {  	[tilespmem:s20], [sflag:$0x1] =	stream.indirect_vreg.gather [hbm4b:s7+s3], $0x80, v3, vm0, $0xb8;
	[tilespmem:$0x10100] =	vst v63  }
0x153: {  	v3 =	vld [tilespmem:$0xD0];
	_ =	sdelay $0x4  }
0x154: {  	v61 =	vshll.u32 v3, $0x3  }
0x155: {  	v3 =	vand.u32 $0x7, v3;
	v4 =	vand.u32 $0xFFFFFFC0, v61  }
0x156: {  	v3 =	vor.u32 v3, v4  }
0x157: {  	v4 =	vperm.xlane v3, v0;
	_ =	sdelay $0x1  }
0x158: {  	v4 =	vadd.s32 v1, v4;
	_ =	sdelay $0x3  }
0x159: {  	s20 =	simm.s32 $0x4100  }
0x15a: {  	[tilespmem:s20], [sflag:$0x1] =	stream.indirect_vreg.gather [hbm4b:s1+s3], $0x80, v4, vm0, $0xb8;
	[tilespmem:$0x10100] =	vst v63  }
0x15b: {  	s14 =	simm.s32 $0x4900;
	v3 =	vperm.xlane v3, v2  }
0x15c: {  	[tilespmem:s14], [sflag:$0x1] =	stream.indirect_vreg.gather [hbm4b:s5+s3], $0x80, v4, vm0, $0xb8;
	[tilespmem:$0x10100] =	vst v63  }
0x15d: {  	s9 =	simm.s32 $0x5100;
	v3 =	vadd.s32 v1, v3  }
0x15e: {  	[tilespmem:s9], [sflag:$0x1] =	stream.indirect_vreg.gather [hbm4b:s6+s3], $0x80, v4, vm0, $0xb8;
	[tilespmem:$0x10100] =	vst v63  }
0x15f: {  	s10 =	simm.s32 $0x5900  }
0x160: {  	[tilespmem:s10], [sflag:$0x1] =	stream.indirect_vreg.gather [hbm4b:s7+s3], $0x80, v4, vm0, $0xb8;
	[tilespmem:$0x10100] =	vst v63  }
0x161: {  	s11 =	simm.s32 $0x6100  }
0x162: {  	[tilespmem:s11], [sflag:$0x1] =	stream.indirect_vreg.gather [hbm4b:s1+s3], $0x80, v3, vm0, $0xb8;
	[tilespmem:$0x10100] =	vst v63  }
0x163: {  	s12 =	simm.s32 $0x6900  }
0x164: {  	[tilespmem:s12], [sflag:$0x1] =	stream.indirect_vreg.gather [hbm4b:s5+s3], $0x80, v3, vm0, $0xb8;
	[tilespmem:$0x10100] =	vst v63  }
0x165: {  	s13 =	simm.s32 $0x7100  }
0x166: {  	[tilespmem:s13], [sflag:$0x1] =	stream.indirect_vreg.gather [hbm4b:s6+s3], $0x80, v3, vm0, $0xb8;
	[tilespmem:$0x10100] =	vst v63  }
0x167: {  	s15 =	simm.s32 $0x7900  }
0x168: {  	[tilespmem:s15], [sflag:$0x1] =	stream.indirect_vreg.gather [hbm4b:s7+s3], $0x80, v3, vm0, $0xb8;
	[tilespmem:$0x10100] =	vst v63  }
0x169: {  	_ =	swait.ge [sflag:s26], $0x8000  }
0x16a: {  	[sflag:s26] =	ssyncset.done $0x0  }
0x16b: {  	s15 =	rddreg [dreg:$0xa];
	[sflag:s26] =	ssyncadd.s32 $0xFFFF8000  }
0x16c: {  	[hbm4b:s15+s3] =	stream.linear.scatter [tilespmem:s24], [sflag:$0x2], $0x8000, $0x38;
	[tilespmem:$0x10100] =	vst v63  }
0x16d: {  	_ =	swait.ge [sflag:s19], $0x8000  }
0x16e: {  	[sflag:s19] =	ssyncset.done $0x0  }
0x16f: {  	[sflag:s19] =	ssyncadd.s32 $0xFFFF8000  }
0x170: {  	v3 =	vld [tilespmem:$0xE0];
	_ =	sdelay $0x4  }
0x171: {  	v62 =	vshll.u32 v3, $0x3  }
0x172: {  	v3 =	vand.u32 $0x7, v3;
	v4 =	vand.u32 $0xFFFFFFC0, v62  }
0x173: {  	v3 =	vor.u32 v3, v4  }
0x174: {  	v4 =	vperm.xlane v3, v0;
	_ =	sdelay $0x1  }
0x175: {  	v4 =	vadd.s32 v1, v4;
	_ =	sdelay $0x4  }
0x176: {  	[tilespmem:s28], [sflag:$0x1] =	stream.indirect_vreg.gather [hbm4b:s1+s3], $0x80, v4, vm0, $0xb8;
	[tilespmem:$0x10100] =	vst v63  }
0x177: {  	s20 =	simm.s32 $0x8900;
	v3 =	vperm.xlane v3, v2  }
0x178: {  	[tilespmem:s20], [sflag:$0x1] =	stream.indirect_vreg.gather [hbm4b:s5+s3], $0x80, v4, vm0, $0xb8;
	[tilespmem:$0x10100] =	vst v63  }
0x179: {  	s0 =	simm.s32 $0x9100;
	v3 =	vadd.s32 v1, v3  }
0x17a: {  	[tilespmem:s0], [sflag:$0x1] =	stream.indirect_vreg.gather [hbm4b:s6+s3], $0x80, v4, vm0, $0xb8;
	[tilespmem:$0x10100] =	vst v63  }
0x17b: {  	s2 =	simm.s32 $0x9900  }
0x17c: {  	[tilespmem:s2], [sflag:$0x1] =	stream.indirect_vreg.gather [hbm4b:s7+s3], $0x80, v4, vm0, $0xb8;
	[tilespmem:$0x10100] =	vst v63  }
0x17d: {  	s4 =	simm.s32 $0xA100  }
0x17e: {  	[tilespmem:s4], [sflag:$0x1] =	stream.indirect_vreg.gather [hbm4b:s1+s3], $0x80, v3, vm0, $0xb8;
	[tilespmem:$0x10100] =	vst v63  }
0x17f: {  	s30 =	simm.s32 $0xA900  }
0x180: {  	[tilespmem:s30], [sflag:$0x1] =	stream.indirect_vreg.gather [hbm4b:s5+s3], $0x80, v3, vm0, $0xb8;
	[tilespmem:$0x10100] =	vst v63  }
0x181: {  	s17 =	simm.s32 $0xB100  }
0x182: {  	[tilespmem:s17], [sflag:$0x1] =	stream.indirect_vreg.gather [hbm4b:s6+s3], $0x80, v3, vm0, $0xb8;
	[tilespmem:$0x10100] =	vst v63  }
0x183: {  	s22 =	simm.s32 $0xB900  }
0x184: {  	[tilespmem:s22], [sflag:$0x1] =	stream.indirect_vreg.gather [hbm4b:s7+s3], $0x80, v3, vm0, $0xb8;
	[tilespmem:$0x10100] =	vst v63  }
0x185: {  	v3 =	vld [tilespmem:$0xF0];
	_ =	sdelay $0x4  }
0x186: {  	v63 =	vshll.u32 v3, $0x3  }
0x187: {  	v3 =	vand.u32 $0x7, v3;
	v4 =	vand.u32 $0xFFFFFFC0, v63  }
0x188: {  	v3 =	vor.u32 v3, v4  }
0x189: {  	v4 =	vperm.xlane v3, v0;
	_ =	sdelay $0x1  }
0x18a: {  	v4 =	vadd.s32 v1, v4;
	_ =	sdelay $0x3  }
0x18b: {  	s23 =	simm.s32 $0xC100  }
0x18c: {  	[tilespmem:s23], [sflag:$0x1] =	stream.indirect_vreg.gather [hbm4b:s1+s3], $0x80, v4, vm0, $0xb8;
	[tilespmem:$0x10100] =	vst v63  }
0x18d: {  	s30 =	simm.s32 $0xC900;
	v3 =	vperm.xlane v3, v2  }
0x18e: {  	[tilespmem:s30], [sflag:$0x1] =	stream.indirect_vreg.gather [hbm4b:s5+s3], $0x80, v4, vm0, $0xb8;
	[tilespmem:$0x10100] =	vst v63  }
0x18f: {  	s21 =	simm.s32 $0xD100;
	v3 =	vadd.s32 v1, v3  }
0x190: {  	[tilespmem:s21], [sflag:$0x1] =	stream.indirect_vreg.gather [hbm4b:s6+s3], $0x80, v4, vm0, $0xb8;
	[tilespmem:$0x10100] =	vst v63  }
0x191: {  	s31 =	simm.s32 $0xD900  }
0x192: {  	[tilespmem:s31], [sflag:$0x1] =	stream.indirect_vreg.gather [hbm4b:s7+s3], $0x80, v4, vm0, $0xb8;
	[tilespmem:$0x10100] =	vst v63  }
0x193: {  	s25 =	simm.s32 $0xE100  }
0x194: {  	[tilespmem:s25], [sflag:$0x1] =	stream.indirect_vreg.gather [hbm4b:s1+s3], $0x80, v3, vm0, $0xb8;
	[tilespmem:$0x10100] =	vst v63  }
0x195: {  	s29 =	simm.s32 $0xE900  }
0x196: {  	[tilespmem:s29], [sflag:$0x1] =	stream.indirect_vreg.gather [hbm4b:s5+s3], $0x80, v3, vm0, $0xb8;
	[tilespmem:$0x10100] =	vst v63  }
0x197: {  	s18 =	simm.s32 $0xF100  }
0x198: {  	[tilespmem:s18], [sflag:$0x1] =	stream.indirect_vreg.gather [hbm4b:s6+s3], $0x80, v3, vm0, $0xb8;
	[tilespmem:$0x10100] =	vst v63  }
0x199: {  	s16 =	simm.s32 $0xF900  }
0x19a: {  	[tilespmem:s16], [sflag:$0x1] =	stream.indirect_vreg.gather [hbm4b:s7+s3], $0x80, v3, vm0, $0xb8;
	[tilespmem:$0x10100] =	vst v63  }
0x19b: {  	_ =	swait.ge [sflag:s26], $0x8000  }
0x19c: {  	[sflag:s26] =	ssyncset.done $0x0  }
0x19d: {  	s31 =	rddreg [dreg:$0xb];
	[sflag:s26] =	ssyncadd.s32 $0xFFFF8000  }
0x19e: {  	[hbm4b:s31+s3] =	stream.linear.scatter [tilespmem:s28], [sflag:$0x2], $0x8000, $0x38;
	[tilespmem:$0x10100] =	vst v63  }
0x19f: {  	p0 =	sne.s32 s8, $0x1;
	_ =	swait.ge [sflag:s19], $0x8000  }
.Ltmp0:
0x1a0: {  	[sflag:s19] =	ssyncset.done $0x0;
	(pc) =	sbr.rel @p0 .LBB2_1-.Ltmp0, $4  }
0x1a1: {  	[sflag:s19] =	ssyncadd.s32 $0xFFFF8000  }
0x1a2: {  	_ =	swait.ge [sflag:s19], $0x8000  }
0x1a3: {  	[sflag:s19] =	ssyncset.done $0x0  }
0x1a4: {  	s8 =	sadd.s32 $0xFFFFFFFF, s8;
	[sflag:s19] =	ssyncadd.s32 $0xFFFF8000  }
0x1a5: {  	_ =	sfence.sel $0x180000  }
0x1a6: {  	[bflag:$0x0] =	sbarrier.arrive $0xFFFF  }
0x1a7: {  	_ =	strace $0x90000047  }
0x1a8: {  	s0 =	stileid.u32;
	[bflag:$0x2] =	sbarrier.arrive $0xFFFF  }
0x1a9: {  	p0 =	sne.s32 s0, $0x0;
	s0 =	rddreg [dreg:$0x3]  }
0x1aa: {  	s0 =	sadd.s32 @!p0 $0x100000, s0  }
0x1ab: {  	[sflag:s0] =	ssyncadd.tile.s32 @!p0 $0x1;
	_ =	shalt  }
.Lfunc_end2:
_tile_overlayer_lowered:
.L_overlay_start_2:
0x1ac: {  	(tag) =	ssettag $0x2  }
0x1ad: {  	s0 =	rddreg [dreg:$0x0];
	s2 =	stileid.u32  }
0x1ae: {  	s1 =	rddreg [dreg:$0x1];
	p0 =	sne.s32 s2, $0x0  }
0x1af: {  	s3 =	rddreg [dreg:$0x2];
	[bflag:$0x3] =	sbarrier.arrive $0xFFFF;
	s2 =	simm.s32 @!p0 $0x1C03  }
0x1b0: {  	[timem:s3], [sflag:s2] =	dma.local @!p0 [hbm:s0], s1  }
0x1b1: {  	s0 =	simm.s32 @!p0 $0x3  }
0x1b2: {  	_ =	swait.ge @!p0 [sflag:s0], s1  }
0x1b3: {  	s1 =	ssub.s32 @!p0 $0x0, s1;
	[sflag:s0] =	ssyncset.done @!p0 $0x0  }
0x1b4: {  	[sflag:s0] =	ssyncadd.s32 @!p0 s1  }
0x1b5: {  	[bflag:$0x3] =	sbarrier.arrive $0xFFFF  }
0x1b6: {  	_ =	shalt  }

</sc_bundles>
